<compile_context>
chip_gen: v7x
topology: tpu7x:2x2x1
jax: 0.10.2.dev20260603
libtpu: 0.0.44.dev20260713+nightly
codegen_flags: <defaults>
</compile_context>

<pallas_src>
import jax
import jax.numpy as jnp
from jax import lax
from jax.experimental import pallas as pl
from jax.experimental.pallas import tpu as pltpu
from jax.experimental.pallas import tpu_sc as plsc

N = 10000
F = 128
M = 10240
E = 320000
NC, NS, L = 2, 16, 16
NW = NC * NS
CK = 32
NCHUNK = 320
N0 = 400
N1 = 240
BLK = 40
EPAD = NW * NCHUNK * CK
NB = F // L
ZR = 64
BM = 1024
NEG_SLOPE = 0.2
GBYTES = 2 * CK * F * 4
SBYTES = CK * F * 4


def _proj_body(x_ref, wl_ref, wr_ref, bl_ref, br_ref, pj_ref):
    xb = x_ref[...]
    pj_ref[0] = jnp.dot(xb, wl_ref[...], preferred_element_type=jnp.float32) + bl_ref[...]
    pj_ref[1] = jnp.dot(xb, wr_ref[...], preferred_element_type=jnp.float32) + br_ref[...]


_proj = pl.pallas_call(
    _proj_body,
    grid=(M // BM,),
    in_specs=[
        pl.BlockSpec((BM, F), lambda i: (i, 0)),
        pl.BlockSpec((F, F), lambda i: (0, 0)),
        pl.BlockSpec((F, F), lambda i: (0, 0)),
        pl.BlockSpec((1, F), lambda i: (0, 0)),
        pl.BlockSpec((1, F), lambda i: (0, 0)),
    ],
    out_specs=pl.BlockSpec((2, BM, F), lambda i: (0, i, 0)),
    out_shape=jax.ShapeDtypeStruct((2, M, F), jnp.float32),
)


def _edge_kernel(xcat_hbm, att_hbm, gidx_hbm, acc_hbm, den_hbm,
                 idx_blk, dst_v, gbuf, msrc, p_buf, denom_v, att_v, zbuf,
                 acc_sh, sem_g, sem_s):
    cid = lax.axis_index("c")
    sid = lax.axis_index("s")
    wid = cid * NS + sid
    cnt = lax.select(cid == 0, N0, N1)
    base = lax.select(cid == 0, sid * N0, NS * N0 + sid * N1)

    pltpu.sync_copy(att_hbm, att_v)

    zeros16 = jnp.zeros((L,), jnp.float32)

    def _zden(r, c):
        denom_v[pl.ds(r * L, L)] = zeros16
        return c

    lax.fori_loop(0, M // L, _zden, 0)

    def _zrow(r, c):
        for b in range(NB):
            zbuf[r, pl.ds(b * L, L)] = zeros16
        return c

    lax.fori_loop(0, ZR, _zrow, 0)
    rows_per_tile = M // NS
    r0 = sid * rows_per_tile
    for i in range(rows_per_tile // ZR):
        pltpu.sync_copy(zbuf, acc_sh.at[pl.ds(r0 + i * ZR, ZR)])
    plsc.subcore_barrier()

    att_blk = [att_v[pl.ds(b * L, L)] for b in range(NB)]
    lanes = lax.iota(jnp.int32, L)
    lane_masks = [lanes == ln for ln in range(L)]
    m16 = jnp.full((L,), M, jnp.int32)

    def _step(j, c):
        b = lax.rem(j, 2)
        bn = 1 - b
        jc = j - 1
        jb = lax.rem(j, BLK)
        jcb = lax.rem(jc, BLK)

        @pl.when((jc >= 0) & (jc < cnt))
        def _():
            pltpu.make_async_copy(xcat_hbm.at[idx_blk.at[jcb]], gbuf.at[bn],
                                  sem_g.at[bn]).wait()

            @pl.when(jc >= 2)
            def _():
                pltpu.make_async_copy(msrc.at[bn], acc_sh.at[dst_v.at[bn]],
                                      sem_s.at[bn]).wait()

            for g in range(CK // L):
                dv = idx_blk[jcb, pl.ds(CK + g * L, L)] - m16
                dst_v[bn, pl.ds(g * L, L)] = dv

        @pl.when(j < cnt)
        def _():
            @pl.when(jb == 0)
            def _():
                pltpu.sync_copy(
                    gidx_hbm.at[pl.ds(pl.multiple_of(base + j, BLK), BLK)],
                    idx_blk)

            pltpu.async_copy(xcat_hbm.at[idx_blk.at[jb]], gbuf.at[b],
                             sem_g.at[b])

        @pl.when((jc >= 0) & (jc < cnt))
        def _():

            @plsc.parallel_loop(0, CK, 1, unroll=2)
            def _edge(e):
                xl_rows = []
                acc16 = jnp.zeros((L,), jnp.float32)
                for bb in range(NB):
                    xlb = gbuf[bn, e, pl.ds(bb * L, L)]
                    xrb = gbuf[bn, CK + e, pl.ds(bb * L, L)]
                    xl_rows.append(xlb)
                    s = xlb + xrb
                    lrelu = jnp.maximum(s, NEG_SLOPE * s)
                    acc16 = acc16 + lrelu * att_blk[bb]
                tot = jnp.sum(acc16)
                p16 = jnp.exp(lax.broadcast(tot, (L,)))
                for bb in range(NB):
                    msrc[bn, e, pl.ds(bb * L, L)] = xl_rows[bb] * p16
                plsc.store_scatter(p_buf, [lax.broadcast(e, (L,))], p16,
                                   mask=lane_masks[0])

            for g in range(CK // L):
                dst16 = dst_v[bn, pl.ds(g * L, L)]
                p16g = p_buf[pl.ds(g * L, L)]
                for ln in range(L):
                    plsc.addupdate_scatter(denom_v, [dst16], p16g,
                                           mask=lane_masks[ln])

            pltpu.async_copy(msrc.at[bn], acc_sh.at[dst_v.at[bn]],
                             sem_s.at[bn], add=True)

        return c

    lax.fori_loop(0, N0 + 1, _step, 0)

    def _drain(tb, c):
        pltpu.make_async_copy(msrc.at[tb], acc_sh.at[dst_v.at[tb]],
                              sem_s.at[tb]).wait()
        return c

    lax.fori_loop(0, 2, _drain, 0)

    pltpu.sync_copy(denom_v, den_hbm.at[wid])
    plsc.subcore_barrier()
    pltpu.sync_copy(acc_sh.at[pl.ds(r0, rows_per_tile)],
                    acc_hbm.at[cid, pl.ds(r0, rows_per_tile)])


_edges = pl.kernel(
    _edge_kernel,
    out_type=(jax.ShapeDtypeStruct((NC, M, F), jnp.float32),
              jax.ShapeDtypeStruct((NW, M), jnp.float32)),
    mesh=plsc.VectorSubcoreMesh(core_axis_name="c", subcore_axis_name="s"),
    compiler_params=pltpu.CompilerParams(needs_layout_passes=False,
                                        internal_scratch_in_bytes=1 << 20),
    scratch_types=[
        pltpu.VMEM((BLK, 2 * CK), jnp.int32),
        pltpu.VMEM((2, CK), jnp.int32),
        pltpu.VMEM((2, 2 * CK, F), jnp.float32),
        pltpu.VMEM((2, CK, F), jnp.float32),
        pltpu.VMEM((CK,), jnp.float32),
        pltpu.VMEM((M,), jnp.float32),
        pltpu.VMEM((F,), jnp.float32),
        pltpu.VMEM((ZR, F), jnp.float32),
        pltpu.VMEM_SHARED((M, F), jnp.float32),
        pltpu.SemaphoreType.DMA((2,)),
        pltpu.SemaphoreType.DMA((2,)),
    ],
)


def _final_body(acc_ref, den_ref, pj_ref, att_ref, bias_ref, out_ref):
    xl = pj_ref[0]
    xr = pj_ref[1]
    s = xl + xr
    lrelu = jnp.maximum(s, NEG_SLOPE * s)
    sa = jnp.exp(jnp.sum(lrelu * att_ref[...], axis=1, keepdims=True))
    num = acc_ref[0] + acc_ref[1] + sa * xl
    den = jnp.sum(den_ref[...], axis=0)[:, None] + sa
    out_ref[...] = num / (den + 1e-16) + bias_ref[...]


_final = pl.pallas_call(
    _final_body,
    grid=(M // BM,),
    in_specs=[
        pl.BlockSpec((NC, BM, F), lambda i: (0, i, 0)),
        pl.BlockSpec((NW, BM), lambda i: (0, i)),
        pl.BlockSpec((2, BM, F), lambda i: (0, i, 0)),
        pl.BlockSpec((1, F), lambda i: (0, 0)),
        pl.BlockSpec((1, F), lambda i: (0, 0)),
    ],
    out_specs=pl.BlockSpec((BM, F), lambda i: (i, 0)),
    out_shape=jax.ShapeDtypeStruct((M, F), jnp.float32),
)


def kernel(x, edge_index, W_l, b_l, W_r, b_r, att, bias):
    xp = jnp.concatenate([x, jnp.zeros((M - N, F), jnp.float32)], axis=0)
    src = edge_index[0].astype(jnp.int32)
    dst = edge_index[1].astype(jnp.int32)
    padv = jnp.full((EPAD - E,), N, jnp.int32)
    srcp = jnp.concatenate([src, padv]).reshape(NW, NCHUNK, 1, CK)
    dstp = jnp.concatenate([dst, padv]).reshape(NW, NCHUNK, 1, CK)
    gidx = jnp.concatenate([srcp, dstp + M], axis=2).reshape(NW * NCHUNK, 2 * CK)
    att1 = att.reshape(F)
    att2 = att.reshape(1, F)
    bl2 = b_l.reshape(1, F)
    br2 = b_r.reshape(1, F)
    bias2 = bias.reshape(1, F)

    pj = _proj(xp, W_l, W_r, bl2, br2)
    xcat = pj.reshape(2 * M, F)
    acc, den = _edges(xcat, att1, gidx)
    out = _final(acc, den, pj, att2, bias2)
    return out[:N]

# --- scband reference (transcript-rebuilt; emitter-appended) ---
"""Pipeline reference for scband-kg-gnn-84430467105347 (READ-ONLY COPY).

The authoritative reference and input builder live on the scoring server;
editing this copy changes nothing except your own understanding.
"""

import jax, jax.numpy as jnp
import numpy as np

N = 10000
E = 320000
F_IN = 128
HEADS = 1
C_OUT = 128


def setup_inputs(seed: int = 0) -> dict:
    key = jax.random.key(seed)
    k = jax.random.split(key, 8)
    x = jax.random.normal(k[0], (N, F_IN), dtype=jnp.float32)
    edge_index = jax.random.randint(k[1], (2, E), 0, N, dtype=jnp.int64)
    s = 1.0 / np.sqrt(F_IN)
    W_l = jax.random.normal(k[2], (F_IN, HEADS * C_OUT), dtype=jnp.float32) * s
    b_l = jnp.zeros((HEADS * C_OUT,), dtype=jnp.float32)
    W_r = jax.random.normal(k[3], (F_IN, HEADS * C_OUT), dtype=jnp.float32) * s
    b_r = jnp.zeros((HEADS * C_OUT,), dtype=jnp.float32)
    att = jax.random.normal(k[4], (1, HEADS, C_OUT), dtype=jnp.float32) * (1.0 / np.sqrt(C_OUT))
    bias = jnp.zeros((HEADS * C_OUT,), dtype=jnp.float32)
    return {"x": x, "edge_index": edge_index, "W_l": W_l, "b_l": b_l, "W_r": W_r, "b_r": b_r, "att": att, "bias": bias}


def reference(x, edge_index, W_l, b_l, W_r, b_r, att, bias):
    n = x.shape[0]
    # add self loops (add_self_loops=True)
    loop = jnp.arange(n, dtype=edge_index.dtype)
    src = jnp.concatenate([edge_index[0], loop])
    dst = jnp.concatenate([edge_index[1], loop])
    # linear projections (GATv2: separate weights for source/target, share_weights=False)
    x_l = (x @ W_l + b_l).reshape(n, HEADS, C_OUT)
    x_r = (x @ W_r + b_r).reshape(n, HEADS, C_OUT)
    # message: x_i + x_j then LeakyReLU, then attention score
    m = x_l[src] + x_r[dst]  # [E+N, H, C]
    m_act = jax.nn.leaky_relu(m, negative_slope=0.2)
    alpha = jnp.sum(m_act * att, axis=-1)  # [E+N, H]
    # softmax over incoming edges per destination node
    amax = jax.ops.segment_max(alpha, dst, num_segments=n)
    alpha = jnp.exp(alpha - amax[dst])
    denom = jax.ops.segment_sum(alpha, dst, num_segments=n)
    alpha = alpha / (denom[dst] + 1e-16)
    # aggregate: sum_j alpha_ij * x_l[j]  (dropout=0, eval mode)
    out = jax.ops.segment_sum(x_l[src] * alpha[..., None], dst, num_segments=n)
    # concat heads + bias
    out = out.reshape(n, HEADS * C_OUT) + bias
    return out

if __name__ == "__main__":
    import jax
    _d = setup_inputs()
    print(jax.jit(kernel)(*tuple(_d.values())))

</pallas_src>

<mosaic_0001>
#map = affine_map<(d0, d1) -> (0, 0)>
#map1 = affine_map<(d0, d1) -> (0)>
#map2 = affine_map<(d0, d1) -> (0, 0, 0)>
module attributes {stable_mosaic.version = 14 : i64} {
  func.func @_edge_kernel(%arg0: i32, %arg1: i32, %arg2: memref<20480x128xf32, #tpu.memory_space<hbm>>, %arg3: memref<128xf32, #tpu.memory_space<hbm>>, %arg4: memref<10240x64xi32, #tpu.memory_space<hbm>>, %arg5: memref<2x10240x128xf32, #tpu.memory_space<hbm>>, %arg6: memref<32x10240xf32, #tpu.memory_space<hbm>>, %arg7: memref<40x64xi32, #tpu.memory_space<vmem>>, %arg8: memref<2x32xi32, #tpu.memory_space<vmem>>, %arg9: memref<2x64x128xf32, #tpu.memory_space<vmem>>, %arg10: memref<2x32x128xf32, #tpu.memory_space<vmem>>, %arg11: memref<32xf32, #tpu.memory_space<vmem>>, %arg12: memref<10240xf32, #tpu.memory_space<vmem>>, %arg13: memref<128xf32, #tpu.memory_space<vmem>>, %arg14: memref<64x128xf32, #tpu.memory_space<vmem>>, %arg15: memref<10240x128xf32, #tpu.memory_space<vmem_shared>>, %arg16: memref<2x!tpu.dma_semaphore, #tpu.memory_space<semaphore_mem>>, %arg17: memref<2x!tpu.dma_semaphore, #tpu.memory_space<semaphore_mem>>) attributes {dimension_semantics = [#tpu.dimension_semantics<core_parallel>, #tpu.dimension_semantics<subcore_parallel>], iteration_bounds = array<i64: 2, 16>, scalar_prefetch = 0 : i64, scratch_operands = 11 : i64, tpu.core_type = #tpu.core_type<sc_vector_subcore>, window_params = [{transform_indices = #map}, {transform_indices = #map1}, {transform_indices = #map}, {transform_indices = #map2}, {transform_indices = #map}]} {
    %mul3A = arith.constant 16 : i32
    %mul3A_0 = arith.muli %arg0, %mul3A : i32
    %add3A = arith.addi %mul3A_0, %arg1 : i32
    %eq3A = arith.constant 0 : i32
    %eq3A_1 = arith.cmpi eq, %arg0, %eq3A : i32
    %select_n3A = arith.constant 240 : i32
    %select_n3A_2 = arith.constant 400 : i32
    %select_n3A_3 = arith.select %eq3A_1, %select_n3A_2, %select_n3A : i32
    %eq3A_4 = arith.constant 0 : i32
    %eq3A_5 = arith.cmpi eq, %arg0, %eq3A_4 : i32
    %mul3A_6 = arith.constant 400 : i32
    %mul3A_7 = arith.muli %arg1, %mul3A_6 : i32
    %mul3A_8 = arith.constant 240 : i32
    %mul3A_9 = arith.muli %arg1, %mul3A_8 : i32
    %add3A_10 = arith.constant 6400 : i32
    %add3A_11 = arith.addi %add3A_10, %mul3A_9 : i32
    %select_n3A_12 = arith.select %eq3A_5, %mul3A_7, %add3A_11 : i32
    "tpu.region"() ({
      %run_scoped3A = tpu.sem_alloc : memref<!tpu.dma_semaphore, #tpu.memory_space<semaphore_mem>>
      tpu.enqueue_dma source(%arg3 : memref<128xf32, #tpu.memory_space<hbm>>) target(%arg13 : memref<128xf32, #tpu.memory_space<vmem>>) target_semaphore(%run_scoped3A : memref<!tpu.dma_semaphore, #tpu.memory_space<semaphore_mem>>)
      tpu.wait_dma2 semaphore(%run_scoped3A : memref<!tpu.dma_semaphore, #tpu.memory_space<semaphore_mem>>) src(%arg3 : memref<128xf32, #tpu.memory_space<hbm>>) dst(%arg13 : memref<128xf32, #tpu.memory_space<vmem>>)
      tpu.yield
    }) : () -> ()
    %broadcast_in_dim3A = arith.constant 0.000000e+00 : f32
    %broadcast_in_dim3A_13 = vector.broadcast %broadcast_in_dim3A : f32 to vector<16xf32>
    %scan3A = arith.constant 0 : i32
    %scan3A_14 = arith.constant 0 : i32
    %scan3A_15 = arith.constant 640 : i32
    %scan3A_16 = arith.addi %scan3A_14, %scan3A_15 : i32
    %scan3A_17 = arith.constant 1 : i32
    scf.for %scan3A_125 = %scan3A_14 to %scan3A_16 step %scan3A_17  : i32 {
      %mul3A_126 = arith.constant 16 : i32
      %mul3A_127 = arith.muli %scan3A_125, %mul3A_126 : i32
      %swap3A = arith.index_cast %mul3A_127 : i32 to index
      %swap3A_128 = tpu.vector_load %arg12[%swap3A] {strides = array<i32>} : memref<10240xf32, #tpu.memory_space<vmem>>, vector<16xf32>,
      tpu.vector_store %arg12[%swap3A], %broadcast_in_dim3A_13 {strides = array<i32>} : memref<10240xf32, #tpu.memory_space<vmem>>, vector<16xf32>,
    }
    %scan3A_18 = arith.constant 640 : i32
    %scan3A_19 = arith.constant 0 : i32
    %scan3A_20 = arith.constant 0 : i32
    %scan3A_21 = arith.constant 64 : i32
    %scan3A_22 = arith.addi %scan3A_20, %scan3A_21 : i32
    %scan3A_23 = arith.constant 1 : i32
    scf.for %scan3A_125 = %scan3A_20 to %scan3A_22 step %scan3A_23  : i32 {
      %swap3A = arith.index_cast %scan3A_125 : i32 to index
      %swap3A_126 = arith.constant 0 : index
      %swap3A_127 = tpu.vector_load %arg14[%swap3A, %swap3A_126] {strides = array<i32>} : memref<64x128xf32, #tpu.memory_space<vmem>>, vector<16xf32>,
      tpu.vector_store %arg14[%swap3A, %swap3A_126], %broadcast_in_dim3A_13 {strides = array<i32>} : memref<64x128xf32, #tpu.memory_space<vmem>>, vector<16xf32>,
      %swap3A_128 = arith.index_cast %scan3A_125 : i32 to index
      %swap3A_129 = arith.constant 16 : index
      %swap3A_130 = tpu.vector_load %arg14[%swap3A_128, %swap3A_129] {strides = array<i32>} : memref<64x128xf32, #tpu.memory_space<vmem>>, vector<16xf32>,
      tpu.vector_store %arg14[%swap3A_128, %swap3A_129], %broadcast_in_dim3A_13 {strides = array<i32>} : memref<64x128xf32, #tpu.memory_space<vmem>>, vector<16xf32>,
      %swap3A_131 = arith.index_cast %scan3A_125 : i32 to index
      %swap3A_132 = arith.constant 32 : index
      %swap3A_133 = tpu.vector_load %arg14[%swap3A_131, %swap3A_132] {strides = array<i32>} : memref<64x128xf32, #tpu.memory_space<vmem>>, vector<16xf32>,
      tpu.vector_store %arg14[%swap3A_131, %swap3A_132], %broadcast_in_dim3A_13 {strides = array<i32>} : memref<64x128xf32, #tpu.memory_space<vmem>>, vector<16xf32>,
      %swap3A_134 = arith.index_cast %scan3A_125 : i32 to index
      %swap3A_135 = arith.constant 48 : index
      %swap3A_136 = tpu.vector_load %arg14[%swap3A_134, %swap3A_135] {strides = array<i32>} : memref<64x128xf32, #tpu.memory_space<vmem>>, vector<16xf32>,
      tpu.vector_store %arg14[%swap3A_134, %swap3A_135], %broadcast_in_dim3A_13 {strides = array<i32>} : memref<64x128xf32, #tpu.memory_space<vmem>>, vector<16xf32>,
      %swap3A_137 = arith.index_cast %scan3A_125 : i32 to index
      %swap3A_138 = arith.constant 64 : index
      %swap3A_139 = tpu.vector_load %arg14[%swap3A_137, %swap3A_138] {strides = array<i32>} : memref<64x128xf32, #tpu.memory_space<vmem>>, vector<16xf32>,
      tpu.vector_store %arg14[%swap3A_137, %swap3A_138], %broadcast_in_dim3A_13 {strides = array<i32>} : memref<64x128xf32, #tpu.memory_space<vmem>>, vector<16xf32>,
      %swap3A_140 = arith.index_cast %scan3A_125 : i32 to index
      %swap3A_141 = arith.constant 80 : index
      %swap3A_142 = tpu.vector_load %arg14[%swap3A_140, %swap3A_141] {strides = array<i32>} : memref<64x128xf32, #tpu.memory_space<vmem>>, vector<16xf32>,
      tpu.vector_store %arg14[%swap3A_140, %swap3A_141], %broadcast_in_dim3A_13 {strides = array<i32>} : memref<64x128xf32, #tpu.memory_space<vmem>>, vector<16xf32>,
      %swap3A_143 = arith.index_cast %scan3A_125 : i32 to index
      %swap3A_144 = arith.constant 96 : index
      %swap3A_145 = tpu.vector_load %arg14[%swap3A_143, %swap3A_144] {strides = array<i32>} : memref<64x128xf32, #tpu.memory_space<vmem>>, vector<16xf32>,
      tpu.vector_store %arg14[%swap3A_143, %swap3A_144], %broadcast_in_dim3A_13 {strides = array<i32>} : memref<64x128xf32, #tpu.memory_space<vmem>>, vector<16xf32>,
      %swap3A_146 = arith.index_cast %scan3A_125 : i32 to index
      %swap3A_147 = arith.constant 112 : index
      %swap3A_148 = tpu.vector_load %arg14[%swap3A_146, %swap3A_147] {strides = array<i32>} : memref<64x128xf32, #tpu.memory_space<vmem>>, vector<16xf32>,
      tpu.vector_store %arg14[%swap3A_146, %swap3A_147], %broadcast_in_dim3A_13 {strides = array<i32>} : memref<64x128xf32, #tpu.memory_space<vmem>>, vector<16xf32>,
    }
    %scan3A_24 = arith.constant 64 : i32
    %mul3A_25 = arith.constant 640 : i32
    %mul3A_26 = arith.muli %arg1, %mul3A_25 : i32
    %add3A_27 = arith.constant 0 : i32
    %add3A_28 = arith.addi %mul3A_26, %add3A_27 : i32
    "tpu.region"() ({
      %run_scoped3A = tpu.sem_alloc : memref<!tpu.dma_semaphore, #tpu.memory_space<semaphore_mem>>
      %dma_start3A = arith.constant 0 : i32
      %dma_start3A_125 = tpu.memref_slice %arg15[%add3A_28, %dma_start3A] : memref<10240x128xf32, #tpu.memory_space<vmem_shared>> -> memref<64x128xf32, #tpu.memory_space<vmem_shared>>
      %dma_start3A_126 = arith.constant 0 : i32
      %dma_start3A_127 = tpu.memref_slice %arg15[%add3A_28, %dma_start3A_126] : memref<10240x128xf32, #tpu.memory_space<vmem_shared>> -> memref<64x128xf32, #tpu.memory_space<vmem_shared>>
      tpu.enqueue_dma source(%arg14 : memref<64x128xf32, #tpu.memory_space<vmem>>) target(%dma_start3A_127 : memref<64x128xf32, #tpu.memory_space<vmem_shared>>) target_semaphore(%run_scoped3A : memref<!tpu.dma_semaphore, #tpu.memory_space<semaphore_mem>>)
      %dma_wait3A = arith.constant 0 : i32
      %dma_wait3A_128 = tpu.memref_slice %arg15[%add3A_28, %dma_wait3A] : memref<10240x128xf32, #tpu.memory_space<vmem_shared>> -> memref<64x128xf32, #tpu.memory_space<vmem_shared>>
      %dma_wait3A_129 = arith.constant 0 : i32
      %dma_wait3A_130 = tpu.memref_slice %arg15[%add3A_28, %dma_wait3A_129] : memref<10240x128xf32, #tpu.memory_space<vmem_shared>> -> memref<64x128xf32, #tpu.memory_space<vmem_shared>>
      tpu.wait_dma2 semaphore(%run_scoped3A : memref<!tpu.dma_semaphore, #tpu.memory_space<semaphore_mem>>) src(%arg14 : memref<64x128xf32, #tpu.memory_space<vmem>>) dst(%dma_wait3A_130 : memref<64x128xf32, #tpu.memory_space<vmem_shared>>)
      tpu.yield
    }) : () -> ()
    %add3A_29 = arith.constant 64 : i32
    %add3A_30 = arith.addi %mul3A_26, %add3A_29 : i32
    "tpu.region"() ({
      %run_scoped3A = tpu.sem_alloc : memref<!tpu.dma_semaphore, #tpu.memory_space<semaphore_mem>>
      %dma_start3A = arith.constant 0 : i32
      %dma_start3A_125 = tpu.memref_slice %arg15[%add3A_30, %dma_start3A] : memref<10240x128xf32, #tpu.memory_space<vmem_shared>> -> memref<64x128xf32, #tpu.memory_space<vmem_shared>>
      %dma_start3A_126 = arith.constant 0 : i32
      %dma_start3A_127 = tpu.memref_slice %arg15[%add3A_30, %dma_start3A_126] : memref<10240x128xf32, #tpu.memory_space<vmem_shared>> -> memref<64x128xf32, #tpu.memory_space<vmem_shared>>
      tpu.enqueue_dma source(%arg14 : memref<64x128xf32, #tpu.memory_space<vmem>>) target(%dma_start3A_127 : memref<64x128xf32, #tpu.memory_space<vmem_shared>>) target_semaphore(%run_scoped3A : memref<!tpu.dma_semaphore, #tpu.memory_space<semaphore_mem>>)
      %dma_wait3A = arith.constant 0 : i32
      %dma_wait3A_128 = tpu.memref_slice %arg15[%add3A_30, %dma_wait3A] : memref<10240x128xf32, #tpu.memory_space<vmem_shared>> -> memref<64x128xf32, #tpu.memory_space<vmem_shared>>
      %dma_wait3A_129 = arith.constant 0 : i32
      %dma_wait3A_130 = tpu.memref_slice %arg15[%add3A_30, %dma_wait3A_129] : memref<10240x128xf32, #tpu.memory_space<vmem_shared>> -> memref<64x128xf32, #tpu.memory_space<vmem_shared>>
      tpu.wait_dma2 semaphore(%run_scoped3A : memref<!tpu.dma_semaphore, #tpu.memory_space<semaphore_mem>>) src(%arg14 : memref<64x128xf32, #tpu.memory_space<vmem>>) dst(%dma_wait3A_130 : memref<64x128xf32, #tpu.memory_space<vmem_shared>>)
      tpu.yield
    }) : () -> ()
    %add3A_31 = arith.constant 128 : i32
    %add3A_32 = arith.addi %mul3A_26, %add3A_31 : i32
    "tpu.region"() ({
      %run_scoped3A = tpu.sem_alloc : memref<!tpu.dma_semaphore, #tpu.memory_space<semaphore_mem>>
      %dma_start3A = arith.constant 0 : i32
      %dma_start3A_125 = tpu.memref_slice %arg15[%add3A_32, %dma_start3A] : memref<10240x128xf32, #tpu.memory_space<vmem_shared>> -> memref<64x128xf32, #tpu.memory_space<vmem_shared>>
      %dma_start3A_126 = arith.constant 0 : i32
      %dma_start3A_127 = tpu.memref_slice %arg15[%add3A_32, %dma_start3A_126] : memref<10240x128xf32, #tpu.memory_space<vmem_shared>> -> memref<64x128xf32, #tpu.memory_space<vmem_shared>>
      tpu.enqueue_dma source(%arg14 : memref<64x128xf32, #tpu.memory_space<vmem>>) target(%dma_start3A_127 : memref<64x128xf32, #tpu.memory_space<vmem_shared>>) target_semaphore(%run_scoped3A : memref<!tpu.dma_semaphore, #tpu.memory_space<semaphore_mem>>)
      %dma_wait3A = arith.constant 0 : i32
      %dma_wait3A_128 = tpu.memref_slice %arg15[%add3A_32, %dma_wait3A] : memref<10240x128xf32, #tpu.memory_space<vmem_shared>> -> memref<64x128xf32, #tpu.memory_space<vmem_shared>>
      %dma_wait3A_129 = arith.constant 0 : i32
      %dma_wait3A_130 = tpu.memref_slice %arg15[%add3A_32, %dma_wait3A_129] : memref<10240x128xf32, #tpu.memory_space<vmem_shared>> -> memref<64x128xf32, #tpu.memory_space<vmem_shared>>
      tpu.wait_dma2 semaphore(%run_scoped3A : memref<!tpu.dma_semaphore, #tpu.memory_space<semaphore_mem>>) src(%arg14 : memref<64x128xf32, #tpu.memory_space<vmem>>) dst(%dma_wait3A_130 : memref<64x128xf32, #tpu.memory_space<vmem_shared>>)
      tpu.yield
    }) : () -> ()
    %add3A_33 = arith.constant 192 : i32
    %add3A_34 = arith.addi %mul3A_26, %add3A_33 : i32
    "tpu.region"() ({
      %run_scoped3A = tpu.sem_alloc : memref<!tpu.dma_semaphore, #tpu.memory_space<semaphore_mem>>
      %dma_start3A = arith.constant 0 : i32
      %dma_start3A_125 = tpu.memref_slice %arg15[%add3A_34, %dma_start3A] : memref<10240x128xf32, #tpu.memory_space<vmem_shared>> -> memref<64x128xf32, #tpu.memory_space<vmem_shared>>
      %dma_start3A_126 = arith.constant 0 : i32
      %dma_start3A_127 = tpu.memref_slice %arg15[%add3A_34, %dma_start3A_126] : memref<10240x128xf32, #tpu.memory_space<vmem_shared>> -> memref<64x128xf32, #tpu.memory_space<vmem_shared>>
      tpu.enqueue_dma source(%arg14 : memref<64x128xf32, #tpu.memory_space<vmem>>) target(%dma_start3A_127 : memref<64x128xf32, #tpu.memory_space<vmem_shared>>) target_semaphore(%run_scoped3A : memref<!tpu.dma_semaphore, #tpu.memory_space<semaphore_mem>>)
      %dma_wait3A = arith.constant 0 : i32
      %dma_wait3A_128 = tpu.memref_slice %arg15[%add3A_34, %dma_wait3A] : memref<10240x128xf32, #tpu.memory_space<vmem_shared>> -> memref<64x128xf32, #tpu.memory_space<vmem_shared>>
      %dma_wait3A_129 = arith.constant 0 : i32
      %dma_wait3A_130 = tpu.memref_slice %arg15[%add3A_34, %dma_wait3A_129] : memref<10240x128xf32, #tpu.memory_space<vmem_shared>> -> memref<64x128xf32, #tpu.memory_space<vmem_shared>>
      tpu.wait_dma2 semaphore(%run_scoped3A : memref<!tpu.dma_semaphore, #tpu.memory_space<semaphore_mem>>) src(%arg14 : memref<64x128xf32, #tpu.memory_space<vmem>>) dst(%dma_wait3A_130 : memref<64x128xf32, #tpu.memory_space<vmem_shared>>)
      tpu.yield
    }) : () -> ()
    %add3A_35 = arith.constant 256 : i32
    %add3A_36 = arith.addi %mul3A_26, %add3A_35 : i32
    "tpu.region"() ({
      %run_scoped3A = tpu.sem_alloc : memref<!tpu.dma_semaphore, #tpu.memory_space<semaphore_mem>>
      %dma_start3A = arith.constant 0 : i32
      %dma_start3A_125 = tpu.memref_slice %arg15[%add3A_36, %dma_start3A] : memref<10240x128xf32, #tpu.memory_space<vmem_shared>> -> memref<64x128xf32, #tpu.memory_space<vmem_shared>>
      %dma_start3A_126 = arith.constant 0 : i32
      %dma_start3A_127 = tpu.memref_slice %arg15[%add3A_36, %dma_start3A_126] : memref<10240x128xf32, #tpu.memory_space<vmem_shared>> -> memref<64x128xf32, #tpu.memory_space<vmem_shared>>
      tpu.enqueue_dma source(%arg14 : memref<64x128xf32, #tpu.memory_space<vmem>>) target(%dma_start3A_127 : memref<64x128xf32, #tpu.memory_space<vmem_shared>>) target_semaphore(%run_scoped3A : memref<!tpu.dma_semaphore, #tpu.memory_space<semaphore_mem>>)
      %dma_wait3A = arith.constant 0 : i32
      %dma_wait3A_128 = tpu.memref_slice %arg15[%add3A_36, %dma_wait3A] : memref<10240x128xf32, #tpu.memory_space<vmem_shared>> -> memref<64x128xf32, #tpu.memory_space<vmem_shared>>
      %dma_wait3A_129 = arith.constant 0 : i32
      %dma_wait3A_130 = tpu.memref_slice %arg15[%add3A_36, %dma_wait3A_129] : memref<10240x128xf32, #tpu.memory_space<vmem_shared>> -> memref<64x128xf32, #tpu.memory_space<vmem_shared>>
      tpu.wait_dma2 semaphore(%run_scoped3A : memref<!tpu.dma_semaphore, #tpu.memory_space<semaphore_mem>>) src(%arg14 : memref<64x128xf32, #tpu.memory_space<vmem>>) dst(%dma_wait3A_130 : memref<64x128xf32, #tpu.memory_space<vmem_shared>>)
      tpu.yield
    }) : () -> ()
    %add3A_37 = arith.constant 320 : i32
    %add3A_38 = arith.addi %mul3A_26, %add3A_37 : i32
    "tpu.region"() ({
      %run_scoped3A = tpu.sem_alloc : memref<!tpu.dma_semaphore, #tpu.memory_space<semaphore_mem>>
      %dma_start3A = arith.constant 0 : i32
      %dma_start3A_125 = tpu.memref_slice %arg15[%add3A_38, %dma_start3A] : memref<10240x128xf32, #tpu.memory_space<vmem_shared>> -> memref<64x128xf32, #tpu.memory_space<vmem_shared>>
      %dma_start3A_126 = arith.constant 0 : i32
      %dma_start3A_127 = tpu.memref_slice %arg15[%add3A_38, %dma_start3A_126] : memref<10240x128xf32, #tpu.memory_space<vmem_shared>> -> memref<64x128xf32, #tpu.memory_space<vmem_shared>>
      tpu.enqueue_dma source(%arg14 : memref<64x128xf32, #tpu.memory_space<vmem>>) target(%dma_start3A_127 : memref<64x128xf32, #tpu.memory_space<vmem_shared>>) target_semaphore(%run_scoped3A : memref<!tpu.dma_semaphore, #tpu.memory_space<semaphore_mem>>)
      %dma_wait3A = arith.constant 0 : i32
      %dma_wait3A_128 = tpu.memref_slice %arg15[%add3A_38, %dma_wait3A] : memref<10240x128xf32, #tpu.memory_space<vmem_shared>> -> memref<64x128xf32, #tpu.memory_space<vmem_shared>>
      %dma_wait3A_129 = arith.constant 0 : i32
      %dma_wait3A_130 = tpu.memref_slice %arg15[%add3A_38, %dma_wait3A_129] : memref<10240x128xf32, #tpu.memory_space<vmem_shared>> -> memref<64x128xf32, #tpu.memory_space<vmem_shared>>
      tpu.wait_dma2 semaphore(%run_scoped3A : memref<!tpu.dma_semaphore, #tpu.memory_space<semaphore_mem>>) src(%arg14 : memref<64x128xf32, #tpu.memory_space<vmem>>) dst(%dma_wait3A_130 : memref<64x128xf32, #tpu.memory_space<vmem_shared>>)
      tpu.yield
    }) : () -> ()
    %add3A_39 = arith.constant 384 : i32
    %add3A_40 = arith.addi %mul3A_26, %add3A_39 : i32
    "tpu.region"() ({
      %run_scoped3A = tpu.sem_alloc : memref<!tpu.dma_semaphore, #tpu.memory_space<semaphore_mem>>
      %dma_start3A = arith.constant 0 : i32
      %dma_start3A_125 = tpu.memref_slice %arg15[%add3A_40, %dma_start3A] : memref<10240x128xf32, #tpu.memory_space<vmem_shared>> -> memref<64x128xf32, #tpu.memory_space<vmem_shared>>
      %dma_start3A_126 = arith.constant 0 : i32
      %dma_start3A_127 = tpu.memref_slice %arg15[%add3A_40, %dma_start3A_126] : memref<10240x128xf32, #tpu.memory_space<vmem_shared>> -> memref<64x128xf32, #tpu.memory_space<vmem_shared>>
      tpu.enqueue_dma source(%arg14 : memref<64x128xf32, #tpu.memory_space<vmem>>) target(%dma_start3A_127 : memref<64x128xf32, #tpu.memory_space<vmem_shared>>) target_semaphore(%run_scoped3A : memref<!tpu.dma_semaphore, #tpu.memory_space<semaphore_mem>>)
      %dma_wait3A = arith.constant 0 : i32
      %dma_wait3A_128 = tpu.memref_slice %arg15[%add3A_40, %dma_wait3A] : memref<10240x128xf32, #tpu.memory_space<vmem_shared>> -> memref<64x128xf32, #tpu.memory_space<vmem_shared>>
      %dma_wait3A_129 = arith.constant 0 : i32
      %dma_wait3A_130 = tpu.memref_slice %arg15[%add3A_40, %dma_wait3A_129] : memref<10240x128xf32, #tpu.memory_space<vmem_shared>> -> memref<64x128xf32, #tpu.memory_space<vmem_shared>>
      tpu.wait_dma2 semaphore(%run_scoped3A : memref<!tpu.dma_semaphore, #tpu.memory_space<semaphore_mem>>) src(%arg14 : memref<64x128xf32, #tpu.memory_space<vmem>>) dst(%dma_wait3A_130 : memref<64x128xf32, #tpu.memory_space<vmem_shared>>)
      tpu.yield
    }) : () -> ()
    %add3A_41 = arith.constant 448 : i32
    %add3A_42 = arith.addi %mul3A_26, %add3A_41 : i32
    "tpu.region"() ({
      %run_scoped3A = tpu.sem_alloc : memref<!tpu.dma_semaphore, #tpu.memory_space<semaphore_mem>>
      %dma_start3A = arith.constant 0 : i32
      %dma_start3A_125 = tpu.memref_slice %arg15[%add3A_42, %dma_start3A] : memref<10240x128xf32, #tpu.memory_space<vmem_shared>> -> memref<64x128xf32, #tpu.memory_space<vmem_shared>>
      %dma_start3A_126 = arith.constant 0 : i32
      %dma_start3A_127 = tpu.memref_slice %arg15[%add3A_42, %dma_start3A_126] : memref<10240x128xf32, #tpu.memory_space<vmem_shared>> -> memref<64x128xf32, #tpu.memory_space<vmem_shared>>
      tpu.enqueue_dma source(%arg14 : memref<64x128xf32, #tpu.memory_space<vmem>>) target(%dma_start3A_127 : memref<64x128xf32, #tpu.memory_space<vmem_shared>>) target_semaphore(%run_scoped3A : memref<!tpu.dma_semaphore, #tpu.memory_space<semaphore_mem>>)
      %dma_wait3A = arith.constant 0 : i32
      %dma_wait3A_128 = tpu.memref_slice %arg15[%add3A_42, %dma_wait3A] : memref<10240x128xf32, #tpu.memory_space<vmem_shared>> -> memref<64x128xf32, #tpu.memory_space<vmem_shared>>
      %dma_wait3A_129 = arith.constant 0 : i32
      %dma_wait3A_130 = tpu.memref_slice %arg15[%add3A_42, %dma_wait3A_129] : memref<10240x128xf32, #tpu.memory_space<vmem_shared>> -> memref<64x128xf32, #tpu.memory_space<vmem_shared>>
      tpu.wait_dma2 semaphore(%run_scoped3A : memref<!tpu.dma_semaphore, #tpu.memory_space<semaphore_mem>>) src(%arg14 : memref<64x128xf32, #tpu.memory_space<vmem>>) dst(%dma_wait3A_130 : memref<64x128xf32, #tpu.memory_space<vmem_shared>>)
      tpu.yield
    }) : () -> ()
    %add3A_43 = arith.constant 512 : i32
    %add3A_44 = arith.addi %mul3A_26, %add3A_43 : i32
    "tpu.region"() ({
      %run_scoped3A = tpu.sem_alloc : memref<!tpu.dma_semaphore, #tpu.memory_space<semaphore_mem>>
      %dma_start3A = arith.constant 0 : i32
      %dma_start3A_125 = tpu.memref_slice %arg15[%add3A_44, %dma_start3A] : memref<10240x128xf32, #tpu.memory_space<vmem_shared>> -> memref<64x128xf32, #tpu.memory_space<vmem_shared>>
      %dma_start3A_126 = arith.constant 0 : i32
      %dma_start3A_127 = tpu.memref_slice %arg15[%add3A_44, %dma_start3A_126] : memref<10240x128xf32, #tpu.memory_space<vmem_shared>> -> memref<64x128xf32, #tpu.memory_space<vmem_shared>>
      tpu.enqueue_dma source(%arg14 : memref<64x128xf32, #tpu.memory_space<vmem>>) target(%dma_start3A_127 : memref<64x128xf32, #tpu.memory_space<vmem_shared>>) target_semaphore(%run_scoped3A : memref<!tpu.dma_semaphore, #tpu.memory_space<semaphore_mem>>)
      %dma_wait3A = arith.constant 0 : i32
      %dma_wait3A_128 = tpu.memref_slice %arg15[%add3A_44, %dma_wait3A] : memref<10240x128xf32, #tpu.memory_space<vmem_shared>> -> memref<64x128xf32, #tpu.memory_space<vmem_shared>>
      %dma_wait3A_129 = arith.constant 0 : i32
      %dma_wait3A_130 = tpu.memref_slice %arg15[%add3A_44, %dma_wait3A_129] : memref<10240x128xf32, #tpu.memory_space<vmem_shared>> -> memref<64x128xf32, #tpu.memory_space<vmem_shared>>
      tpu.wait_dma2 semaphore(%run_scoped3A : memref<!tpu.dma_semaphore, #tpu.memory_space<semaphore_mem>>) src(%arg14 : memref<64x128xf32, #tpu.memory_space<vmem>>) dst(%dma_wait3A_130 : memref<64x128xf32, #tpu.memory_space<vmem_shared>>)
      tpu.yield
    }) : () -> ()
    %add3A_45 = arith.constant 576 : i32
    %add3A_46 = arith.addi %mul3A_26, %add3A_45 : i32
    "tpu.region"() ({
      %run_scoped3A = tpu.sem_alloc : memref<!tpu.dma_semaphore, #tpu.memory_space<semaphore_mem>>
      %dma_start3A = arith.constant 0 : i32
      %dma_start3A_125 = tpu.memref_slice %arg15[%add3A_46, %dma_start3A] : memref<10240x128xf32, #tpu.memory_space<vmem_shared>> -> memref<64x128xf32, #tpu.memory_space<vmem_shared>>
      %dma_start3A_126 = arith.constant 0 : i32
      %dma_start3A_127 = tpu.memref_slice %arg15[%add3A_46, %dma_start3A_126] : memref<10240x128xf32, #tpu.memory_space<vmem_shared>> -> memref<64x128xf32, #tpu.memory_space<vmem_shared>>
      tpu.enqueue_dma source(%arg14 : memref<64x128xf32, #tpu.memory_space<vmem>>) target(%dma_start3A_127 : memref<64x128xf32, #tpu.memory_space<vmem_shared>>) target_semaphore(%run_scoped3A : memref<!tpu.dma_semaphore, #tpu.memory_space<semaphore_mem>>)
      %dma_wait3A = arith.constant 0 : i32
      %dma_wait3A_128 = tpu.memref_slice %arg15[%add3A_46, %dma_wait3A] : memref<10240x128xf32, #tpu.memory_space<vmem_shared>> -> memref<64x128xf32, #tpu.memory_space<vmem_shared>>
      %dma_wait3A_129 = arith.constant 0 : i32
      %dma_wait3A_130 = tpu.memref_slice %arg15[%add3A_46, %dma_wait3A_129] : memref<10240x128xf32, #tpu.memory_space<vmem_shared>> -> memref<64x128xf32, #tpu.memory_space<vmem_shared>>
      tpu.wait_dma2 semaphore(%run_scoped3A : memref<!tpu.dma_semaphore, #tpu.memory_space<semaphore_mem>>) src(%arg14 : memref<64x128xf32, #tpu.memory_space<vmem>>) dst(%dma_wait3A_130 : memref<64x128xf32, #tpu.memory_space<vmem_shared>>)
      tpu.yield
    }) : () -> ()
    %barrier3A = arith.constant 0 : index
    tpu.barrier barrier_id(%barrier3A)
    %get3A = arith.constant 0 : index
    %get3A_47 = tpu.vector_load %arg13[%get3A] {strides = array<i32>} : memref<128xf32, #tpu.memory_space<vmem>>, vector<16xf32>,
    %get3A_48 = arith.constant 16 : index
    %get3A_49 = tpu.vector_load %arg13[%get3A_48] {strides = array<i32>} : memref<128xf32, #tpu.memory_space<vmem>>, vector<16xf32>,
    %get3A_50 = arith.constant 32 : index
    %get3A_51 = tpu.vector_load %arg13[%get3A_50] {strides = array<i32>} : memref<128xf32, #tpu.memory_space<vmem>>, vector<16xf32>,
    %get3A_52 = arith.constant 48 : index
    %get3A_53 = tpu.vector_load %arg13[%get3A_52] {strides = array<i32>} : memref<128xf32, #tpu.memory_space<vmem>>, vector<16xf32>,
    %get3A_54 = arith.constant 64 : index
    %get3A_55 = tpu.vector_load %arg13[%get3A_54] {strides = array<i32>} : memref<128xf32, #tpu.memory_space<vmem>>, vector<16xf32>,
    %get3A_56 = arith.constant 80 : index
    %get3A_57 = tpu.vector_load %arg13[%get3A_56] {strides = array<i32>} : memref<128xf32, #tpu.memory_space<vmem>>, vector<16xf32>,
    %get3A_58 = arith.constant 96 : index
    %get3A_59 = tpu.vector_load %arg13[%get3A_58] {strides = array<i32>} : memref<128xf32, #tpu.memory_space<vmem>>, vector<16xf32>,
    %get3A_60 = arith.constant 112 : index
    %get3A_61 = tpu.vector_load %arg13[%get3A_60] {strides = array<i32>} : memref<128xf32, #tpu.memory_space<vmem>>, vector<16xf32>,
    %iota3A = tpu.iota {dimensions = array<i32: 0>} : vector<16xi32>
    %eq3A_62 = arith.constant 0 : i32
    %eq3A_63 = vector.broadcast %eq3A_62 : i32 to vector<16xi32>
    %eq3A_64 = arith.cmpi eq, %iota3A, %eq3A_63 : vector<16xi32>
    %eq3A_65 = arith.constant 1 : i32
    %eq3A_66 = vector.broadcast %eq3A_65 : i32 to vector<16xi32>
    %eq3A_67 = arith.cmpi eq, %iota3A, %eq3A_66 : vector<16xi32>
    %eq3A_68 = arith.constant 2 : i32
    %eq3A_69 = vector.broadcast %eq3A_68 : i32 to vector<16xi32>
    %eq3A_70 = arith.cmpi eq, %iota3A, %eq3A_69 : vector<16xi32>
    %eq3A_71 = arith.constant 3 : i32
    %eq3A_72 = vector.broadcast %eq3A_71 : i32 to vector<16xi32>
    %eq3A_73 = arith.cmpi eq, %iota3A, %eq3A_72 : vector<16xi32>
    %eq3A_74 = arith.constant 4 : i32
    %eq3A_75 = vector.broadcast %eq3A_74 : i32 to vector<16xi32>
    %eq3A_76 = arith.cmpi eq, %iota3A, %eq3A_75 : vector<16xi32>
    %eq3A_77 = arith.constant 5 : i32
    %eq3A_78 = vector.broadcast %eq3A_77 : i32 to vector<16xi32>
    %eq3A_79 = arith.cmpi eq, %iota3A, %eq3A_78 : vector<16xi32>
    %eq3A_80 = arith.constant 6 : i32
    %eq3A_81 = vector.broadcast %eq3A_80 : i32 to vector<16xi32>
    %eq3A_82 = arith.cmpi eq, %iota3A, %eq3A_81 : vector<16xi32>
    %eq3A_83 = arith.constant 7 : i32
    %eq3A_84 = vector.broadcast %eq3A_83 : i32 to vector<16xi32>
    %eq3A_85 = arith.cmpi eq, %iota3A, %eq3A_84 : vector<16xi32>
    %eq3A_86 = arith.constant 8 : i32
    %eq3A_87 = vector.broadcast %eq3A_86 : i32 to vector<16xi32>
    %eq3A_88 = arith.cmpi eq, %iota3A, %eq3A_87 : vector<16xi32>
    %eq3A_89 = arith.constant 9 : i32
    %eq3A_90 = vector.broadcast %eq3A_89 : i32 to vector<16xi32>
    %eq3A_91 = arith.cmpi eq, %iota3A, %eq3A_90 : vector<16xi32>
    %eq3A_92 = arith.constant 10 : i32
    %eq3A_93 = vector.broadcast %eq3A_92 : i32 to vector<16xi32>
    %eq3A_94 = arith.cmpi eq, %iota3A, %eq3A_93 : vector<16xi32>
    %eq3A_95 = arith.constant 11 : i32
    %eq3A_96 = vector.broadcast %eq3A_95 : i32 to vector<16xi32>
    %eq3A_97 = arith.cmpi eq, %iota3A, %eq3A_96 : vector<16xi32>
    %eq3A_98 = arith.constant 12 : i32
    %eq3A_99 = vector.broadcast %eq3A_98 : i32 to vector<16xi32>
    %eq3A_100 = arith.cmpi eq, %iota3A, %eq3A_99 : vector<16xi32>
    %eq3A_101 = arith.constant 13 : i32
    %eq3A_102 = vector.broadcast %eq3A_101 : i32 to vector<16xi32>
    %eq3A_103 = arith.cmpi eq, %iota3A, %eq3A_102 : vector<16xi32>
    %eq3A_104 = arith.constant 14 : i32
    %eq3A_105 = vector.broadcast %eq3A_104 : i32 to vector<16xi32>
    %eq3A_106 = arith.cmpi eq, %iota3A, %eq3A_105 : vector<16xi32>
    %eq3A_107 = arith.constant 15 : i32
    %eq3A_108 = vector.broadcast %eq3A_107 : i32 to vector<16xi32>
    %eq3A_109 = arith.cmpi eq, %iota3A, %eq3A_108 : vector<16xi32>
    %broadcast_in_dim3A_110 = arith.constant 10240 : i32
    %broadcast_in_dim3A_111 = vector.broadcast %broadcast_in_dim3A_110 : i32 to vector<16xi32>
    %scan3A_112 = arith.constant 0 : i32
    %scan3A_113 = arith.constant 0 : i32
    %scan3A_114 = arith.constant 401 : i32
    %scan3A_115 = arith.addi %scan3A_113, %scan3A_114 : i32
    %scan3A_116 = arith.constant 1 : i32
    scf.for %scan3A_125 = %scan3A_113 to %scan3A_115 step %scan3A_116  : i32 {
      %rem3A = arith.constant 2 : i32
      %rem3A_126 = arith.remsi %scan3A_125, %rem3A : i32
      %sub3A = arith.constant 1 : i32
      %sub3A_127 = arith.subi %sub3A, %rem3A_126 : i32
      %sub3A_128 = arith.constant 1 : i32
      %sub3A_129 = arith.subi %scan3A_125, %sub3A_128 : i32
      %rem3A_130 = arith.constant 40 : i32
      %rem3A_131 = arith.remsi %scan3A_125, %rem3A_130 : i32
      %rem3A_132 = arith.constant 40 : i32
      %rem3A_133 = arith.remsi %sub3A_129, %rem3A_132 : i32
      %ge3A = arith.constant 0 : i32
      %ge3A_134 = arith.cmpi sge, %sub3A_129, %ge3A : i32
      %lt3A = arith.cmpi slt, %sub3A_129, %select_n3A_3 : i32
      %and3A = arith.andi %ge3A_134, %lt3A : i1
      %convert_element_type3A = arith.extui %and3A : i1 to i32
      %cond3A = arith.constant 0 : i32
      %cond3A_135 = arith.cmpi ne, %convert_element_type3A, %cond3A : i32
      scf.if %cond3A_135 {
        %dma_wait3A = arith.constant 0 : i32
        %dma_wait3A_147 = arith.constant 0 : i32
        %dma_wait3A_148 = tpu.memref_slice %arg9[%sub3A_127, %dma_wait3A, %dma_wait3A_147] : memref<2x64x128xf32, #tpu.memory_space<vmem>> -> memref<1x64x128xf32, #tpu.memory_space<vmem>>
        %dma_wait3A_149 = tpu.memref_squeeze %dma_wait3A_148 : memref<1x64x128xf32, #tpu.memory_space<vmem>> -> memref<64x128xf32, #tpu.memory_space<vmem>>
        %dma_wait3A_150 = arith.constant 0 : i32
        %dma_wait3A_151 = tpu.memref_slice %arg7[%rem3A_133, %dma_wait3A_150] : memref<40x64xi32, #tpu.memory_space<vmem>> -> memref<1x64xi32, #tpu.memory_space<vmem>>
        %dma_wait3A_152 = tpu.memref_squeeze %dma_wait3A_151 : memref<1x64xi32, #tpu.memory_space<vmem>> -> memref<64xi32, #tpu.memory_space<vmem>>
        %dma_wait3A_153 = arith.constant 0 : i32
        %dma_wait3A_154 = arith.constant 0 : i32
        %dma_wait3A_155 = tpu.memref_slice %arg2[%dma_wait3A_153, %dma_wait3A_154] : memref<20480x128xf32, #tpu.memory_space<hbm>> -> memref<20480x128xf32, #tpu.memory_space<hbm>>
        %dma_wait3A_156 = tpu.memref_slice %arg16[%sub3A_127] : memref<2x!tpu.dma_semaphore, #tpu.memory_space<semaphore_mem>> -> memref<1x!tpu.dma_semaphore, #tpu.memory_space<semaphore_mem>>
        %dma_wait3A_157 = tpu.memref_squeeze %dma_wait3A_156 : memref<1x!tpu.dma_semaphore, #tpu.memory_space<semaphore_mem>> -> memref<!tpu.dma_semaphore, #tpu.memory_space<semaphore_mem>>
        tpu.wait_indirect_dma semaphore(%dma_wait3A_157 : memref<!tpu.dma_semaphore, #tpu.memory_space<semaphore_mem>>) src(%dma_wait3A_155 : memref<20480x128xf32, #tpu.memory_space<hbm>>) dst(%dma_wait3A_149 : memref<64x128xf32, #tpu.memory_space<vmem>>)
        %ge3A_158 = arith.constant 2 : i32
        %ge3A_159 = arith.cmpi sge, %sub3A_129, %ge3A_158 : i32
        %convert_element_type3A_160 = arith.extui %ge3A_159 : i1 to i32
        %cond3A_161 = arith.constant 0 : i32
        %cond3A_162 = arith.cmpi ne, %convert_element_type3A_160, %cond3A_161 : i32
        scf.if %cond3A_162 {
          %dma_wait3A_176 = arith.constant 0 : i32
          %dma_wait3A_177 = arith.constant 0 : i32
          %dma_wait3A_178 = tpu.memref_slice %arg10[%sub3A_127, %dma_wait3A_176, %dma_wait3A_177] : memref<2x32x128xf32, #tpu.memory_space<vmem>> -> memref<1x32x128xf32, #tpu.memory_space<vmem>>
          %dma_wait3A_179 = tpu.memref_squeeze %dma_wait3A_178 : memref<1x32x128xf32, #tpu.memory_space<vmem>> -> memref<32x128xf32, #tpu.memory_space<vmem>>
          %dma_wait3A_180 = arith.constant 0 : i32
          %dma_wait3A_181 = tpu.memref_slice %arg8[%sub3A_127, %dma_wait3A_180] : memref<2x32xi32, #tpu.memory_space<vmem>> -> memref<1x32xi32, #tpu.memory_space<vmem>>
          %dma_wait3A_182 = tpu.memref_squeeze %dma_wait3A_181 : memref<1x32xi32, #tpu.memory_space<vmem>> -> memref<32xi32, #tpu.memory_space<vmem>>
          %dma_wait3A_183 = arith.constant 0 : i32
          %dma_wait3A_184 = arith.constant 0 : i32
          %dma_wait3A_185 = tpu.memref_slice %arg15[%dma_wait3A_183, %dma_wait3A_184] : memref<10240x128xf32, #tpu.memory_space<vmem_shared>> -> memref<10240x128xf32, #tpu.memory_space<vmem_shared>>
          %dma_wait3A_186 = tpu.memref_slice %arg17[%sub3A_127] : memref<2x!tpu.dma_semaphore, #tpu.memory_space<semaphore_mem>> -> memref<1x!tpu.dma_semaphore, #tpu.memory_space<semaphore_mem>>
          %dma_wait3A_187 = tpu.memref_squeeze %dma_wait3A_186 : memref<1x!tpu.dma_semaphore, #tpu.memory_space<semaphore_mem>> -> memref<!tpu.dma_semaphore, #tpu.memory_space<semaphore_mem>>
          tpu.wait_indirect_dma semaphore(%dma_wait3A_187 : memref<!tpu.dma_semaphore, #tpu.memory_space<semaphore_mem>>) src(%dma_wait3A_179 : memref<32x128xf32, #tpu.memory_space<vmem>>) dst(%dma_wait3A_185 : memref<10240x128xf32, #tpu.memory_space<vmem_shared>>)
        } else {
        }
        %get3A_163 = arith.index_cast %rem3A_133 : i32 to index
        %get3A_164 = arith.constant 32 : index
        %get3A_165 = tpu.vector_load %arg7[%get3A_163, %get3A_164] {strides = array<i32>} : memref<40x64xi32, #tpu.memory_space<vmem>>, vector<16xi32>,
        %sub3A_166 = arith.subi %get3A_165, %broadcast_in_dim3A_111 : vector<16xi32>
        %swap3A = arith.index_cast %sub3A_127 : i32 to index
        %swap3A_167 = arith.constant 0 : index
        %swap3A_168 = tpu.vector_load %arg8[%swap3A, %swap3A_167] {strides = array<i32>} : memref<2x32xi32, #tpu.memory_space<vmem>>, vector<16xi32>,
        tpu.vector_store %arg8[%swap3A, %swap3A_167], %sub3A_166 {strides = array<i32>} : memref<2x32xi32, #tpu.memory_space<vmem>>, vector<16xi32>,
        %get3A_169 = arith.index_cast %rem3A_133 : i32 to index
        %get3A_170 = arith.constant 48 : index
        %get3A_171 = tpu.vector_load %arg7[%get3A_169, %get3A_170] {strides = array<i32>} : memref<40x64xi32, #tpu.memory_space<vmem>>, vector<16xi32>,
        %sub3A_172 = arith.subi %get3A_171, %broadcast_in_dim3A_111 : vector<16xi32>
        %swap3A_173 = arith.index_cast %sub3A_127 : i32 to index
        %swap3A_174 = arith.constant 16 : index
        %swap3A_175 = tpu.vector_load %arg8[%swap3A_173, %swap3A_174] {strides = array<i32>} : memref<2x32xi32, #tpu.memory_space<vmem>>, vector<16xi32>,
        tpu.vector_store %arg8[%swap3A_173, %swap3A_174], %sub3A_172 {strides = array<i32>} : memref<2x32xi32, #tpu.memory_space<vmem>>, vector<16xi32>,
      } else {
      }
      %lt3A_136 = arith.cmpi slt, %scan3A_125, %select_n3A_3 : i32
      %convert_element_type3A_137 = arith.extui %lt3A_136 : i1 to i32
      %cond3A_138 = arith.constant 0 : i32
      %cond3A_139 = arith.cmpi ne, %convert_element_type3A_137, %cond3A_138 : i32
      scf.if %cond3A_139 {
        %eq3A_147 = arith.constant 0 : i32
        %eq3A_148 = arith.cmpi eq, %rem3A_131, %eq3A_147 : i32
        %convert_element_type3A_149 = arith.extui %eq3A_148 : i1 to i32
        %cond3A_150 = arith.constant 0 : i32
        %cond3A_151 = arith.cmpi ne, %convert_element_type3A_149, %cond3A_150 : i32
        scf.if %cond3A_151 {
          %add3A_163 = arith.addi %select_n3A_12, %scan3A_125 : i32
          %multiple_of3A = tpu.assume_multiple %add3A_163, 40 : i32
          "tpu.region"() ({
            %run_scoped3A = tpu.sem_alloc : memref<!tpu.dma_semaphore, #tpu.memory_space<semaphore_mem>>
            %dma_start3A_164 = arith.constant 0 : i32
            %dma_start3A_165 = tpu.memref_slice %arg4[%multiple_of3A, %dma_start3A_164] : memref<10240x64xi32, #tpu.memory_space<hbm>> -> memref<40x64xi32, #tpu.memory_space<hbm>>
            %dma_start3A_166 = arith.constant 0 : i32
            %dma_start3A_167 = tpu.memref_slice %arg4[%multiple_of3A, %dma_start3A_166] : memref<10240x64xi32, #tpu.memory_space<hbm>> -> memref<40x64xi32, #tpu.memory_space<hbm>>
            tpu.enqueue_dma source(%dma_start3A_167 : memref<40x64xi32, #tpu.memory_space<hbm>>) target(%arg7 : memref<40x64xi32, #tpu.memory_space<vmem>>) target_semaphore(%run_scoped3A : memref<!tpu.dma_semaphore, #tpu.memory_space<semaphore_mem>>)
            %dma_wait3A = arith.constant 0 : i32
            %dma_wait3A_168 = tpu.memref_slice %arg4[%multiple_of3A, %dma_wait3A] : memref<10240x64xi32, #tpu.memory_space<hbm>> -> memref<40x64xi32, #tpu.memory_space<hbm>>
            %dma_wait3A_169 = arith.constant 0 : i32
            %dma_wait3A_170 = tpu.memref_slice %arg4[%multiple_of3A, %dma_wait3A_169] : memref<10240x64xi32, #tpu.memory_space<hbm>> -> memref<40x64xi32, #tpu.memory_space<hbm>>
            tpu.wait_dma2 semaphore(%run_scoped3A : memref<!tpu.dma_semaphore, #tpu.memory_space<semaphore_mem>>) src(%dma_wait3A_170 : memref<40x64xi32, #tpu.memory_space<hbm>>) dst(%arg7 : memref<40x64xi32, #tpu.memory_space<vmem>>)
            tpu.yield
          }) : () -> ()
        } else {
        }
        %dma_start3A = arith.constant 0 : i32
        %dma_start3A_152 = arith.constant 0 : i32
        %dma_start3A_153 = tpu.memref_slice %arg9[%rem3A_126, %dma_start3A, %dma_start3A_152] : memref<2x64x128xf32, #tpu.memory_space<vmem>> -> memref<1x64x128xf32, #tpu.memory_space<vmem>>
        %dma_start3A_154 = tpu.memref_squeeze %dma_start3A_153 : memref<1x64x128xf32, #tpu.memory_space<vmem>> -> memref<64x128xf32, #tpu.memory_space<vmem>>
        %dma_start3A_155 = arith.constant 0 : i32
        %dma_start3A_156 = tpu.memref_slice %arg7[%rem3A_131, %dma_start3A_155] : memref<40x64xi32, #tpu.memory_space<vmem>> -> memref<1x64xi32, #tpu.memory_space<vmem>>
        %dma_start3A_157 = tpu.memref_squeeze %dma_start3A_156 : memref<1x64xi32, #tpu.memory_space<vmem>> -> memref<64xi32, #tpu.memory_space<vmem>>
        %dma_start3A_158 = arith.constant 0 : i32
        %dma_start3A_159 = arith.constant 0 : i32
        %dma_start3A_160 = tpu.memref_slice %arg2[%dma_start3A_158, %dma_start3A_159] : memref<20480x128xf32, #tpu.memory_space<hbm>> -> memref<20480x128xf32, #tpu.memory_space<hbm>>
        %dma_start3A_161 = tpu.memref_slice %arg16[%rem3A_126] : memref<2x!tpu.dma_semaphore, #tpu.memory_space<semaphore_mem>> -> memref<1x!tpu.dma_semaphore, #tpu.memory_space<semaphore_mem>>
        %dma_start3A_162 = tpu.memref_squeeze %dma_start3A_161 : memref<1x!tpu.dma_semaphore, #tpu.memory_space<semaphore_mem>> -> memref<!tpu.dma_semaphore, #tpu.memory_space<semaphore_mem>>
        tpu.enqueue_indirect_dma source(%dma_start3A_160 : memref<20480x128xf32, #tpu.memory_space<hbm>>) target(%dma_start3A_154 : memref<64x128xf32, #tpu.memory_space<vmem>>) offsets(%dma_start3A_157 : memref<64xi32, #tpu.memory_space<vmem>>) semaphore(%dma_start3A_162 : memref<!tpu.dma_semaphore, #tpu.memory_space<semaphore_mem>>)
      } else {
      }
      %ge3A_140 = arith.constant 0 : i32
      %ge3A_141 = arith.cmpi sge, %sub3A_129, %ge3A_140 : i32
      %lt3A_142 = arith.cmpi slt, %sub3A_129, %select_n3A_3 : i32
      %and3A_143 = arith.andi %ge3A_141, %lt3A_142 : i1
      %convert_element_type3A_144 = arith.extui %and3A_143 : i1 to i32
      %cond3A_145 = arith.constant 0 : i32
      %cond3A_146 = arith.cmpi ne, %convert_element_type3A_144, %cond3A_145 : i32
      scf.if %cond3A_146 {
        %parallel_loop3A = arith.constant 0 : i32
        %parallel_loop3A_147 = arith.constant 32 : i32
        %parallel_loop3A_148 = arith.constant 1 : i32
        scf.for %parallel_loop3A_170 = %parallel_loop3A to %parallel_loop3A_147 step %parallel_loop3A_148  : i32 {
          %parallel_loop3A_171 = arith.constant 0.000000e+00 : f32
          %parallel_loop3A_172 = vector.broadcast %parallel_loop3A_171 : f32 to vector<16xf32>
          %parallel_loop3A_173 = arith.index_cast %sub3A_127 : i32 to index
          %parallel_loop3A_174 = arith.index_cast %parallel_loop3A_170 : i32 to index
          %parallel_loop3A_175 = arith.constant 0 : index
          %parallel_loop3A_176 = tpu.vector_load %arg9[%parallel_loop3A_173, %parallel_loop3A_174, %parallel_loop3A_175] {strides = array<i32>} : memref<2x64x128xf32, #tpu.memory_space<vmem>>, vector<16xf32>,
          %parallel_loop3A_177 = arith.constant 32 : i32
          %parallel_loop3A_178 = arith.addi %parallel_loop3A_177, %parallel_loop3A_170 : i32
          %parallel_loop3A_179 = arith.index_cast %sub3A_127 : i32 to index
          %parallel_loop3A_180 = arith.index_cast %parallel_loop3A_178 : i32 to index
          %parallel_loop3A_181 = arith.constant 0 : index
          %parallel_loop3A_182 = tpu.vector_load %arg9[%parallel_loop3A_179, %parallel_loop3A_180, %parallel_loop3A_181] {strides = array<i32>} : memref<2x64x128xf32, #tpu.memory_space<vmem>>, vector<16xf32>,
          %parallel_loop3A_183 = arith.addf %parallel_loop3A_176, %parallel_loop3A_182 : vector<16xf32>
          %parallel_loop3A_184 = arith.constant 2.000000e-01 : f32
          %parallel_loop3A_185 = vector.broadcast %parallel_loop3A_184 : f32 to vector<16xf32>
          %parallel_loop3A_186 = arith.mulf %parallel_loop3A_185, %parallel_loop3A_183 : vector<16xf32>
          %parallel_loop3A_187 = arith.maximumf %parallel_loop3A_183, %parallel_loop3A_186 : vector<16xf32>
          %parallel_loop3A_188 = arith.mulf %parallel_loop3A_187, %get3A_47 : vector<16xf32>
          %parallel_loop3A_189 = arith.addf %parallel_loop3A_172, %parallel_loop3A_188 : vector<16xf32>
          %parallel_loop3A_190 = arith.index_cast %sub3A_127 : i32 to index
          %parallel_loop3A_191 = arith.index_cast %parallel_loop3A_170 : i32 to index
          %parallel_loop3A_192 = arith.constant 16 : index
          %parallel_loop3A_193 = tpu.vector_load %arg9[%parallel_loop3A_190, %parallel_loop3A_191, %parallel_loop3A_192] {strides = array<i32>} : memref<2x64x128xf32, #tpu.memory_space<vmem>>, vector<16xf32>,
          %parallel_loop3A_194 = arith.constant 32 : i32
          %parallel_loop3A_195 = arith.addi %parallel_loop3A_194, %parallel_loop3A_170 : i32
          %parallel_loop3A_196 = arith.index_cast %sub3A_127 : i32 to index
          %parallel_loop3A_197 = arith.index_cast %parallel_loop3A_195 : i32 to index
          %parallel_loop3A_198 = arith.constant 16 : index
          %parallel_loop3A_199 = tpu.vector_load %arg9[%parallel_loop3A_196, %parallel_loop3A_197, %parallel_loop3A_198] {strides = array<i32>} : memref<2x64x128xf32, #tpu.memory_space<vmem>>, vector<16xf32>,
          %parallel_loop3A_200 = arith.addf %parallel_loop3A_193, %parallel_loop3A_199 : vector<16xf32>
          %parallel_loop3A_201 = arith.constant 2.000000e-01 : f32
          %parallel_loop3A_202 = vector.broadcast %parallel_loop3A_201 : f32 to vector<16xf32>
          %parallel_loop3A_203 = arith.mulf %parallel_loop3A_202, %parallel_loop3A_200 : vector<16xf32>
          %parallel_loop3A_204 = arith.maximumf %parallel_loop3A_200, %parallel_loop3A_203 : vector<16xf32>
          %parallel_loop3A_205 = arith.mulf %parallel_loop3A_204, %get3A_49 : vector<16xf32>
          %parallel_loop3A_206 = arith.addf %parallel_loop3A_189, %parallel_loop3A_205 : vector<16xf32>
          %parallel_loop3A_207 = arith.index_cast %sub3A_127 : i32 to index
          %parallel_loop3A_208 = arith.index_cast %parallel_loop3A_170 : i32 to index
          %parallel_loop3A_209 = arith.constant 32 : index
          %parallel_loop3A_210 = tpu.vector_load %arg9[%parallel_loop3A_207, %parallel_loop3A_208, %parallel_loop3A_209] {strides = array<i32>} : memref<2x64x128xf32, #tpu.memory_space<vmem>>, vector<16xf32>,
          %parallel_loop3A_211 = arith.constant 32 : i32
          %parallel_loop3A_212 = arith.addi %parallel_loop3A_211, %parallel_loop3A_170 : i32
          %parallel_loop3A_213 = arith.index_cast %sub3A_127 : i32 to index
          %parallel_loop3A_214 = arith.index_cast %parallel_loop3A_212 : i32 to index
          %parallel_loop3A_215 = arith.constant 32 : index
          %parallel_loop3A_216 = tpu.vector_load %arg9[%parallel_loop3A_213, %parallel_loop3A_214, %parallel_loop3A_215] {strides = array<i32>} : memref<2x64x128xf32, #tpu.memory_space<vmem>>, vector<16xf32>,
          %parallel_loop3A_217 = arith.addf %parallel_loop3A_210, %parallel_loop3A_216 : vector<16xf32>
          %parallel_loop3A_218 = arith.constant 2.000000e-01 : f32
          %parallel_loop3A_219 = vector.broadcast %parallel_loop3A_218 : f32 to vector<16xf32>
          %parallel_loop3A_220 = arith.mulf %parallel_loop3A_219, %parallel_loop3A_217 : vector<16xf32>
          %parallel_loop3A_221 = arith.maximumf %parallel_loop3A_217, %parallel_loop3A_220 : vector<16xf32>
          %parallel_loop3A_222 = arith.mulf %parallel_loop3A_221, %get3A_51 : vector<16xf32>
          %parallel_loop3A_223 = arith.addf %parallel_loop3A_206, %parallel_loop3A_222 : vector<16xf32>
          %parallel_loop3A_224 = arith.index_cast %sub3A_127 : i32 to index
          %parallel_loop3A_225 = arith.index_cast %parallel_loop3A_170 : i32 to index
          %parallel_loop3A_226 = arith.constant 48 : index
          %parallel_loop3A_227 = tpu.vector_load %arg9[%parallel_loop3A_224, %parallel_loop3A_225, %parallel_loop3A_226] {strides = array<i32>} : memref<2x64x128xf32, #tpu.memory_space<vmem>>, vector<16xf32>,
          %parallel_loop3A_228 = arith.constant 32 : i32
          %parallel_loop3A_229 = arith.addi %parallel_loop3A_228, %parallel_loop3A_170 : i32
          %parallel_loop3A_230 = arith.index_cast %sub3A_127 : i32 to index
          %parallel_loop3A_231 = arith.index_cast %parallel_loop3A_229 : i32 to index
          %parallel_loop3A_232 = arith.constant 48 : index
          %parallel_loop3A_233 = tpu.vector_load %arg9[%parallel_loop3A_230, %parallel_loop3A_231, %parallel_loop3A_232] {strides = array<i32>} : memref<2x64x128xf32, #tpu.memory_space<vmem>>, vector<16xf32>,
          %parallel_loop3A_234 = arith.addf %parallel_loop3A_227, %parallel_loop3A_233 : vector<16xf32>
          %parallel_loop3A_235 = arith.constant 2.000000e-01 : f32
          %parallel_loop3A_236 = vector.broadcast %parallel_loop3A_235 : f32 to vector<16xf32>
          %parallel_loop3A_237 = arith.mulf %parallel_loop3A_236, %parallel_loop3A_234 : vector<16xf32>
          %parallel_loop3A_238 = arith.maximumf %parallel_loop3A_234, %parallel_loop3A_237 : vector<16xf32>
          %parallel_loop3A_239 = arith.mulf %parallel_loop3A_238, %get3A_53 : vector<16xf32>
          %parallel_loop3A_240 = arith.addf %parallel_loop3A_223, %parallel_loop3A_239 : vector<16xf32>
          %parallel_loop3A_241 = arith.index_cast %sub3A_127 : i32 to index
          %parallel_loop3A_242 = arith.index_cast %parallel_loop3A_170 : i32 to index
          %parallel_loop3A_243 = arith.constant 64 : index
          %parallel_loop3A_244 = tpu.vector_load %arg9[%parallel_loop3A_241, %parallel_loop3A_242, %parallel_loop3A_243] {strides = array<i32>} : memref<2x64x128xf32, #tpu.memory_space<vmem>>, vector<16xf32>,
          %parallel_loop3A_245 = arith.constant 32 : i32
          %parallel_loop3A_246 = arith.addi %parallel_loop3A_245, %parallel_loop3A_170 : i32
          %parallel_loop3A_247 = arith.index_cast %sub3A_127 : i32 to index
          %parallel_loop3A_248 = arith.index_cast %parallel_loop3A_246 : i32 to index
          %parallel_loop3A_249 = arith.constant 64 : index
          %parallel_loop3A_250 = tpu.vector_load %arg9[%parallel_loop3A_247, %parallel_loop3A_248, %parallel_loop3A_249] {strides = array<i32>} : memref<2x64x128xf32, #tpu.memory_space<vmem>>, vector<16xf32>,
          %parallel_loop3A_251 = arith.addf %parallel_loop3A_244, %parallel_loop3A_250 : vector<16xf32>
          %parallel_loop3A_252 = arith.constant 2.000000e-01 : f32
          %parallel_loop3A_253 = vector.broadcast %parallel_loop3A_252 : f32 to vector<16xf32>
          %parallel_loop3A_254 = arith.mulf %parallel_loop3A_253, %parallel_loop3A_251 : vector<16xf32>
          %parallel_loop3A_255 = arith.maximumf %parallel_loop3A_251, %parallel_loop3A_254 : vector<16xf32>
          %parallel_loop3A_256 = arith.mulf %parallel_loop3A_255, %get3A_55 : vector<16xf32>
          %parallel_loop3A_257 = arith.addf %parallel_loop3A_240, %parallel_loop3A_256 : vector<16xf32>
          %parallel_loop3A_258 = arith.index_cast %sub3A_127 : i32 to index
          %parallel_loop3A_259 = arith.index_cast %parallel_loop3A_170 : i32 to index
          %parallel_loop3A_260 = arith.constant 80 : index
          %parallel_loop3A_261 = tpu.vector_load %arg9[%parallel_loop3A_258, %parallel_loop3A_259, %parallel_loop3A_260] {strides = array<i32>} : memref<2x64x128xf32, #tpu.memory_space<vmem>>, vector<16xf32>,
          %parallel_loop3A_262 = arith.constant 32 : i32
          %parallel_loop3A_263 = arith.addi %parallel_loop3A_262, %parallel_loop3A_170 : i32
          %parallel_loop3A_264 = arith.index_cast %sub3A_127 : i32 to index
          %parallel_loop3A_265 = arith.index_cast %parallel_loop3A_263 : i32 to index
          %parallel_loop3A_266 = arith.constant 80 : index
          %parallel_loop3A_267 = tpu.vector_load %arg9[%parallel_loop3A_264, %parallel_loop3A_265, %parallel_loop3A_266] {strides = array<i32>} : memref<2x64x128xf32, #tpu.memory_space<vmem>>, vector<16xf32>,
          %parallel_loop3A_268 = arith.addf %parallel_loop3A_261, %parallel_loop3A_267 : vector<16xf32>
          %parallel_loop3A_269 = arith.constant 2.000000e-01 : f32
          %parallel_loop3A_270 = vector.broadcast %parallel_loop3A_269 : f32 to vector<16xf32>
          %parallel_loop3A_271 = arith.mulf %parallel_loop3A_270, %parallel_loop3A_268 : vector<16xf32>
          %parallel_loop3A_272 = arith.maximumf %parallel_loop3A_268, %parallel_loop3A_271 : vector<16xf32>
          %parallel_loop3A_273 = arith.mulf %parallel_loop3A_272, %get3A_57 : vector<16xf32>
          %parallel_loop3A_274 = arith.addf %parallel_loop3A_257, %parallel_loop3A_273 : vector<16xf32>
          %parallel_loop3A_275 = arith.index_cast %sub3A_127 : i32 to index
          %parallel_loop3A_276 = arith.index_cast %parallel_loop3A_170 : i32 to index
          %parallel_loop3A_277 = arith.constant 96 : index
          %parallel_loop3A_278 = tpu.vector_load %arg9[%parallel_loop3A_275, %parallel_loop3A_276, %parallel_loop3A_277] {strides = array<i32>} : memref<2x64x128xf32, #tpu.memory_space<vmem>>, vector<16xf32>,
          %parallel_loop3A_279 = arith.constant 32 : i32
          %parallel_loop3A_280 = arith.addi %parallel_loop3A_279, %parallel_loop3A_170 : i32
          %parallel_loop3A_281 = arith.index_cast %sub3A_127 : i32 to index
          %parallel_loop3A_282 = arith.index_cast %parallel_loop3A_280 : i32 to index
          %parallel_loop3A_283 = arith.constant 96 : index
          %parallel_loop3A_284 = tpu.vector_load %arg9[%parallel_loop3A_281, %parallel_loop3A_282, %parallel_loop3A_283] {strides = array<i32>} : memref<2x64x128xf32, #tpu.memory_space<vmem>>, vector<16xf32>,
          %parallel_loop3A_285 = arith.addf %parallel_loop3A_278, %parallel_loop3A_284 : vector<16xf32>
          %parallel_loop3A_286 = arith.constant 2.000000e-01 : f32
          %parallel_loop3A_287 = vector.broadcast %parallel_loop3A_286 : f32 to vector<16xf32>
          %parallel_loop3A_288 = arith.mulf %parallel_loop3A_287, %parallel_loop3A_285 : vector<16xf32>
          %parallel_loop3A_289 = arith.maximumf %parallel_loop3A_285, %parallel_loop3A_288 : vector<16xf32>
          %parallel_loop3A_290 = arith.mulf %parallel_loop3A_289, %get3A_59 : vector<16xf32>
          %parallel_loop3A_291 = arith.addf %parallel_loop3A_274, %parallel_loop3A_290 : vector<16xf32>
          %parallel_loop3A_292 = arith.index_cast %sub3A_127 : i32 to index
          %parallel_loop3A_293 = arith.index_cast %parallel_loop3A_170 : i32 to index
          %parallel_loop3A_294 = arith.constant 112 : index
          %parallel_loop3A_295 = tpu.vector_load %arg9[%parallel_loop3A_292, %parallel_loop3A_293, %parallel_loop3A_294] {strides = array<i32>} : memref<2x64x128xf32, #tpu.memory_space<vmem>>, vector<16xf32>,
          %parallel_loop3A_296 = arith.constant 32 : i32
          %parallel_loop3A_297 = arith.addi %parallel_loop3A_296, %parallel_loop3A_170 : i32
          %parallel_loop3A_298 = arith.index_cast %sub3A_127 : i32 to index
          %parallel_loop3A_299 = arith.index_cast %parallel_loop3A_297 : i32 to index
          %parallel_loop3A_300 = arith.constant 112 : index
          %parallel_loop3A_301 = tpu.vector_load %arg9[%parallel_loop3A_298, %parallel_loop3A_299, %parallel_loop3A_300] {strides = array<i32>} : memref<2x64x128xf32, #tpu.memory_space<vmem>>, vector<16xf32>,
          %parallel_loop3A_302 = arith.addf %parallel_loop3A_295, %parallel_loop3A_301 : vector<16xf32>
          %parallel_loop3A_303 = arith.constant 2.000000e-01 : f32
          %parallel_loop3A_304 = vector.broadcast %parallel_loop3A_303 : f32 to vector<16xf32>
          %parallel_loop3A_305 = arith.mulf %parallel_loop3A_304, %parallel_loop3A_302 : vector<16xf32>
          %parallel_loop3A_306 = arith.maximumf %parallel_loop3A_302, %parallel_loop3A_305 : vector<16xf32>
          %parallel_loop3A_307 = arith.mulf %parallel_loop3A_306, %get3A_61 : vector<16xf32>
          %parallel_loop3A_308 = arith.addf %parallel_loop3A_291, %parallel_loop3A_307 : vector<16xf32>
          %parallel_loop3A_309 = arith.constant true
          %parallel_loop3A_310 = vector.broadcast %parallel_loop3A_309 : i1 to vector<16xi1>
          %parallel_loop3A_311 = tpu.scan <sum>, %parallel_loop3A_308 masked %parallel_loop3A_310 : vector<16xf32>, vector<16xi1> -> vector<16xf32>
          %parallel_loop3A_312 = vector.extract %parallel_loop3A_311[15] : f32 from vector<16xf32>
          %parallel_loop3A_313 = vector.broadcast %parallel_loop3A_312 : f32 to vector<16xf32>
          %parallel_loop3A_314 = math.exp %parallel_loop3A_313 : vector<16xf32>
          %parallel_loop3A_315 = arith.mulf %parallel_loop3A_176, %parallel_loop3A_314 : vector<16xf32>
          %parallel_loop3A_316 = arith.index_cast %sub3A_127 : i32 to index
          %parallel_loop3A_317 = arith.index_cast %parallel_loop3A_170 : i32 to index
          %parallel_loop3A_318 = arith.constant 0 : index
          %parallel_loop3A_319 = tpu.vector_load %arg10[%parallel_loop3A_316, %parallel_loop3A_317, %parallel_loop3A_318] {strides = array<i32>} : memref<2x32x128xf32, #tpu.memory_space<vmem>>, vector<16xf32>,
          tpu.vector_store %arg10[%parallel_loop3A_316, %parallel_loop3A_317, %parallel_loop3A_318], %parallel_loop3A_315 {strides = array<i32>} : memref<2x32x128xf32, #tpu.memory_space<vmem>>, vector<16xf32>,
          %parallel_loop3A_320 = arith.mulf %parallel_loop3A_193, %parallel_loop3A_314 : vector<16xf32>
          %parallel_loop3A_321 = arith.index_cast %sub3A_127 : i32 to index
          %parallel_loop3A_322 = arith.index_cast %parallel_loop3A_170 : i32 to index
          %parallel_loop3A_323 = arith.constant 16 : index
          %parallel_loop3A_324 = tpu.vector_load %arg10[%parallel_loop3A_321, %parallel_loop3A_322, %parallel_loop3A_323] {strides = array<i32>} : memref<2x32x128xf32, #tpu.memory_space<vmem>>, vector<16xf32>,
          tpu.vector_store %arg10[%parallel_loop3A_321, %parallel_loop3A_322, %parallel_loop3A_323], %parallel_loop3A_320 {strides = array<i32>} : memref<2x32x128xf32, #tpu.memory_space<vmem>>, vector<16xf32>,
          %parallel_loop3A_325 = arith.mulf %parallel_loop3A_210, %parallel_loop3A_314 : vector<16xf32>
          %parallel_loop3A_326 = arith.index_cast %sub3A_127 : i32 to index
          %parallel_loop3A_327 = arith.index_cast %parallel_loop3A_170 : i32 to index
          %parallel_loop3A_328 = arith.constant 32 : index
          %parallel_loop3A_329 = tpu.vector_load %arg10[%parallel_loop3A_326, %parallel_loop3A_327, %parallel_loop3A_328] {strides = array<i32>} : memref<2x32x128xf32, #tpu.memory_space<vmem>>, vector<16xf32>,
          tpu.vector_store %arg10[%parallel_loop3A_326, %parallel_loop3A_327, %parallel_loop3A_328], %parallel_loop3A_325 {strides = array<i32>} : memref<2x32x128xf32, #tpu.memory_space<vmem>>, vector<16xf32>,
          %parallel_loop3A_330 = arith.mulf %parallel_loop3A_227, %parallel_loop3A_314 : vector<16xf32>
          %parallel_loop3A_331 = arith.index_cast %sub3A_127 : i32 to index
          %parallel_loop3A_332 = arith.index_cast %parallel_loop3A_170 : i32 to index
          %parallel_loop3A_333 = arith.constant 48 : index
          %parallel_loop3A_334 = tpu.vector_load %arg10[%parallel_loop3A_331, %parallel_loop3A_332, %parallel_loop3A_333] {strides = array<i32>} : memref<2x32x128xf32, #tpu.memory_space<vmem>>, vector<16xf32>,
          tpu.vector_store %arg10[%parallel_loop3A_331, %parallel_loop3A_332, %parallel_loop3A_333], %parallel_loop3A_330 {strides = array<i32>} : memref<2x32x128xf32, #tpu.memory_space<vmem>>, vector<16xf32>,
          %parallel_loop3A_335 = arith.mulf %parallel_loop3A_244, %parallel_loop3A_314 : vector<16xf32>
          %parallel_loop3A_336 = arith.index_cast %sub3A_127 : i32 to index
          %parallel_loop3A_337 = arith.index_cast %parallel_loop3A_170 : i32 to index
          %parallel_loop3A_338 = arith.constant 64 : index
          %parallel_loop3A_339 = tpu.vector_load %arg10[%parallel_loop3A_336, %parallel_loop3A_337, %parallel_loop3A_338] {strides = array<i32>} : memref<2x32x128xf32, #tpu.memory_space<vmem>>, vector<16xf32>,
          tpu.vector_store %arg10[%parallel_loop3A_336, %parallel_loop3A_337, %parallel_loop3A_338], %parallel_loop3A_335 {strides = array<i32>} : memref<2x32x128xf32, #tpu.memory_space<vmem>>, vector<16xf32>,
          %parallel_loop3A_340 = arith.mulf %parallel_loop3A_261, %parallel_loop3A_314 : vector<16xf32>
          %parallel_loop3A_341 = arith.index_cast %sub3A_127 : i32 to index
          %parallel_loop3A_342 = arith.index_cast %parallel_loop3A_170 : i32 to index
          %parallel_loop3A_343 = arith.constant 80 : index
          %parallel_loop3A_344 = tpu.vector_load %arg10[%parallel_loop3A_341, %parallel_loop3A_342, %parallel_loop3A_343] {strides = array<i32>} : memref<2x32x128xf32, #tpu.memory_space<vmem>>, vector<16xf32>,
          tpu.vector_store %arg10[%parallel_loop3A_341, %parallel_loop3A_342, %parallel_loop3A_343], %parallel_loop3A_340 {strides = array<i32>} : memref<2x32x128xf32, #tpu.memory_space<vmem>>, vector<16xf32>,
          %parallel_loop3A_345 = arith.mulf %parallel_loop3A_278, %parallel_loop3A_314 : vector<16xf32>
          %parallel_loop3A_346 = arith.index_cast %sub3A_127 : i32 to index
          %parallel_loop3A_347 = arith.index_cast %parallel_loop3A_170 : i32 to index
          %parallel_loop3A_348 = arith.constant 96 : index
          %parallel_loop3A_349 = tpu.vector_load %arg10[%parallel_loop3A_346, %parallel_loop3A_347, %parallel_loop3A_348] {strides = array<i32>} : memref<2x32x128xf32, #tpu.memory_space<vmem>>, vector<16xf32>,
          tpu.vector_store %arg10[%parallel_loop3A_346, %parallel_loop3A_347, %parallel_loop3A_348], %parallel_loop3A_345 {strides = array<i32>} : memref<2x32x128xf32, #tpu.memory_space<vmem>>, vector<16xf32>,
          %parallel_loop3A_350 = arith.mulf %parallel_loop3A_295, %parallel_loop3A_314 : vector<16xf32>
          %parallel_loop3A_351 = arith.index_cast %sub3A_127 : i32 to index
          %parallel_loop3A_352 = arith.index_cast %parallel_loop3A_170 : i32 to index
          %parallel_loop3A_353 = arith.constant 112 : index
          %parallel_loop3A_354 = tpu.vector_load %arg10[%parallel_loop3A_351, %parallel_loop3A_352, %parallel_loop3A_353] {strides = array<i32>} : memref<2x32x128xf32, #tpu.memory_space<vmem>>, vector<16xf32>,
          tpu.vector_store %arg10[%parallel_loop3A_351, %parallel_loop3A_352, %parallel_loop3A_353], %parallel_loop3A_350 {strides = array<i32>} : memref<2x32x128xf32, #tpu.memory_space<vmem>>, vector<16xf32>,
          %parallel_loop3A_355 = vector.broadcast %parallel_loop3A_170 : i32 to vector<16xi32>
          tpu.vector_store_idx %arg11[%parallel_loop3A_355], %parallel_loop3A_314 masked %eq3A_64 : memref<32xf32, #tpu.memory_space<vmem>>[vector<16xi32>], vector<16xf32>, vector<16xi1>
        } {sc.loop_unroll_factor = 2 : i64, sc.parallel_access}
        %get3A_149 = arith.index_cast %sub3A_127 : i32 to index
        %get3A_150 = arith.constant 0 : index
        %get3A_151 = tpu.vector_load %arg8[%get3A_149, %get3A_150] {strides = array<i32>} : memref<2x32xi32, #tpu.memory_space<vmem>>, vector<16xi32>,
        %get3A_152 = arith.constant 0 : index
        %get3A_153 = tpu.vector_load %arg11[%get3A_152] {strides = array<i32>} : memref<32xf32, #tpu.memory_space<vmem>>, vector<16xf32>,
        tpu.vector_store_idx %arg12[%get3A_151], %get3A_153 masked %eq3A_64 {add = true} : memref<10240xf32, #tpu.memory_space<vmem>>[vector<16xi32>], vector<16xf32>, vector<16xi1>
        tpu.vector_store_idx %arg12[%get3A_151], %get3A_153 masked %eq3A_67 {add = true} : memref<10240xf32, #tpu.memory_space<vmem>>[vector<16xi32>], vector<16xf32>, vector<16xi1>
        tpu.vector_store_idx %arg12[%get3A_151], %get3A_153 masked %eq3A_70 {add = true} : memref<10240xf32, #tpu.memory_space<vmem>>[vector<16xi32>], vector<16xf32>, vector<16xi1>
        tpu.vector_store_idx %arg12[%get3A_151], %get3A_153 masked %eq3A_73 {add = true} : memref<10240xf32, #tpu.memory_space<vmem>>[vector<16xi32>], vector<16xf32>, vector<16xi1>
        tpu.vector_store_idx %arg12[%get3A_151], %get3A_153 masked %eq3A_76 {add = true} : memref<10240xf32, #tpu.memory_space<vmem>>[vector<16xi32>], vector<16xf32>, vector<16xi1>
        tpu.vector_store_idx %arg12[%get3A_151], %get3A_153 masked %eq3A_79 {add = true} : memref<10240xf32, #tpu.memory_space<vmem>>[vector<16xi32>], vector<16xf32>, vector<16xi1>
        tpu.vector_store_idx %arg12[%get3A_151], %get3A_153 masked %eq3A_82 {add = true} : memref<10240xf32, #tpu.memory_space<vmem>>[vector<16xi32>], vector<16xf32>, vector<16xi1>
        tpu.vector_store_idx %arg12[%get3A_151], %get3A_153 masked %eq3A_85 {add = true} : memref<10240xf32, #tpu.memory_space<vmem>>[vector<16xi32>], vector<16xf32>, vector<16xi1>
        tpu.vector_store_idx %arg12[%get3A_151], %get3A_153 masked %eq3A_88 {add = true} : memref<10240xf32, #tpu.memory_space<vmem>>[vector<16xi32>], vector<16xf32>, vector<16xi1>
        tpu.vector_store_idx %arg12[%get3A_151], %get3A_153 masked %eq3A_91 {add = true} : memref<10240xf32, #tpu.memory_space<vmem>>[vector<16xi32>], vector<16xf32>, vector<16xi1>
        tpu.vector_store_idx %arg12[%get3A_151], %get3A_153 masked %eq3A_94 {add = true} : memref<10240xf32, #tpu.memory_space<vmem>>[vector<16xi32>], vector<16xf32>, vector<16xi1>
        tpu.vector_store_idx %arg12[%get3A_151], %get3A_153 masked %eq3A_97 {add = true} : memref<10240xf32, #tpu.memory_space<vmem>>[vector<16xi32>], vector<16xf32>, vector<16xi1>
        tpu.vector_store_idx %arg12[%get3A_151], %get3A_153 masked %eq3A_100 {add = true} : memref<10240xf32, #tpu.memory_space<vmem>>[vector<16xi32>], vector<16xf32>, vector<16xi1>
        tpu.vector_store_idx %arg12[%get3A_151], %get3A_153 masked %eq3A_103 {add = true} : memref<10240xf32, #tpu.memory_space<vmem>>[vector<16xi32>], vector<16xf32>, vector<16xi1>
        tpu.vector_store_idx %arg12[%get3A_151], %get3A_153 masked %eq3A_106 {add = true} : memref<10240xf32, #tpu.memory_space<vmem>>[vector<16xi32>], vector<16xf32>, vector<16xi1>
        tpu.vector_store_idx %arg12[%get3A_151], %get3A_153 masked %eq3A_109 {add = true} : memref<10240xf32, #tpu.memory_space<vmem>>[vector<16xi32>], vector<16xf32>, vector<16xi1>
        %get3A_154 = arith.index_cast %sub3A_127 : i32 to index
        %get3A_155 = arith.constant 16 : index
        %get3A_156 = tpu.vector_load %arg8[%get3A_154, %get3A_155] {strides = array<i32>} : memref<2x32xi32, #tpu.memory_space<vmem>>, vector<16xi32>,
        %get3A_157 = arith.constant 16 : index
        %get3A_158 = tpu.vector_load %arg11[%get3A_157] {strides = array<i32>} : memref<32xf32, #tpu.memory_space<vmem>>, vector<16xf32>,
        tpu.vector_store_idx %arg12[%get3A_156], %get3A_158 masked %eq3A_64 {add = true} : memref<10240xf32, #tpu.memory_space<vmem>>[vector<16xi32>], vector<16xf32>, vector<16xi1>
        tpu.vector_store_idx %arg12[%get3A_156], %get3A_158 masked %eq3A_67 {add = true} : memref<10240xf32, #tpu.memory_space<vmem>>[vector<16xi32>], vector<16xf32>, vector<16xi1>
        tpu.vector_store_idx %arg12[%get3A_156], %get3A_158 masked %eq3A_70 {add = true} : memref<10240xf32, #tpu.memory_space<vmem>>[vector<16xi32>], vector<16xf32>, vector<16xi1>
        tpu.vector_store_idx %arg12[%get3A_156], %get3A_158 masked %eq3A_73 {add = true} : memref<10240xf32, #tpu.memory_space<vmem>>[vector<16xi32>], vector<16xf32>, vector<16xi1>
        tpu.vector_store_idx %arg12[%get3A_156], %get3A_158 masked %eq3A_76 {add = true} : memref<10240xf32, #tpu.memory_space<vmem>>[vector<16xi32>], vector<16xf32>, vector<16xi1>
        tpu.vector_store_idx %arg12[%get3A_156], %get3A_158 masked %eq3A_79 {add = true} : memref<10240xf32, #tpu.memory_space<vmem>>[vector<16xi32>], vector<16xf32>, vector<16xi1>
        tpu.vector_store_idx %arg12[%get3A_156], %get3A_158 masked %eq3A_82 {add = true} : memref<10240xf32, #tpu.memory_space<vmem>>[vector<16xi32>], vector<16xf32>, vector<16xi1>
        tpu.vector_store_idx %arg12[%get3A_156], %get3A_158 masked %eq3A_85 {add = true} : memref<10240xf32, #tpu.memory_space<vmem>>[vector<16xi32>], vector<16xf32>, vector<16xi1>
        tpu.vector_store_idx %arg12[%get3A_156], %get3A_158 masked %eq3A_88 {add = true} : memref<10240xf32, #tpu.memory_space<vmem>>[vector<16xi32>], vector<16xf32>, vector<16xi1>
        tpu.vector_store_idx %arg12[%get3A_156], %get3A_158 masked %eq3A_91 {add = true} : memref<10240xf32, #tpu.memory_space<vmem>>[vector<16xi32>], vector<16xf32>, vector<16xi1>
        tpu.vector_store_idx %arg12[%get3A_156], %get3A_158 masked %eq3A_94 {add = true} : memref<10240xf32, #tpu.memory_space<vmem>>[vector<16xi32>], vector<16xf32>, vector<16xi1>
        tpu.vector_store_idx %arg12[%get3A_156], %get3A_158 masked %eq3A_97 {add = true} : memref<10240xf32, #tpu.memory_space<vmem>>[vector<16xi32>], vector<16xf32>, vector<16xi1>
        tpu.vector_store_idx %arg12[%get3A_156], %get3A_158 masked %eq3A_100 {add = true} : memref<10240xf32, #tpu.memory_space<vmem>>[vector<16xi32>], vector<16xf32>, vector<16xi1>
        tpu.vector_store_idx %arg12[%get3A_156], %get3A_158 masked %eq3A_103 {add = true} : memref<10240xf32, #tpu.memory_space<vmem>>[vector<16xi32>], vector<16xf32>, vector<16xi1>
        tpu.vector_store_idx %arg12[%get3A_156], %get3A_158 masked %eq3A_106 {add = true} : memref<10240xf32, #tpu.memory_space<vmem>>[vector<16xi32>], vector<16xf32>, vector<16xi1>
        tpu.vector_store_idx %arg12[%get3A_156], %get3A_158 masked %eq3A_109 {add = true} : memref<10240xf32, #tpu.memory_space<vmem>>[vector<16xi32>], vector<16xf32>, vector<16xi1>
        %dma_start3A = arith.constant 0 : i32
        %dma_start3A_159 = arith.constant 0 : i32
        %dma_start3A_160 = tpu.memref_slice %arg10[%sub3A_127, %dma_start3A, %dma_start3A_159] : memref<2x32x128xf32, #tpu.memory_space<vmem>> -> memref<1x32x128xf32, #tpu.memory_space<vmem>>
        %dma_start3A_161 = tpu.memref_squeeze %dma_start3A_160 : memref<1x32x128xf32, #tpu.memory_space<vmem>> -> memref<32x128xf32, #tpu.memory_space<vmem>>
        %dma_start3A_162 = arith.constant 0 : i32
        %dma_start3A_163 = tpu.memref_slice %arg8[%sub3A_127, %dma_start3A_162] : memref<2x32xi32, #tpu.memory_space<vmem>> -> memref<1x32xi32, #tpu.memory_space<vmem>>
        %dma_start3A_164 = tpu.memref_squeeze %dma_start3A_163 : memref<1x32xi32, #tpu.memory_space<vmem>> -> memref<32xi32, #tpu.memory_space<vmem>>
        %dma_start3A_165 = arith.constant 0 : i32
        %dma_start3A_166 = arith.constant 0 : i32
        %dma_start3A_167 = tpu.memref_slice %arg15[%dma_start3A_165, %dma_start3A_166] : memref<10240x128xf32, #tpu.memory_space<vmem_shared>> -> memref<10240x128xf32, #tpu.memory_space<vmem_shared>>
        %dma_start3A_168 = tpu.memref_slice %arg17[%sub3A_127] : memref<2x!tpu.dma_semaphore, #tpu.memory_space<semaphore_mem>> -> memref<1x!tpu.dma_semaphore, #tpu.memory_space<semaphore_mem>>
        %dma_start3A_169 = tpu.memref_squeeze %dma_start3A_168 : memref<1x!tpu.dma_semaphore, #tpu.memory_space<semaphore_mem>> -> memref<!tpu.dma_semaphore, #tpu.memory_space<semaphore_mem>>
        tpu.enqueue_indirect_dma source(%dma_start3A_161 : memref<32x128xf32, #tpu.memory_space<vmem>>) target(%dma_start3A_167 : memref<10240x128xf32, #tpu.memory_space<vmem_shared>>) offsets(%dma_start3A_164 : memref<32xi32, #tpu.memory_space<vmem>>) semaphore(%dma_start3A_169 : memref<!tpu.dma_semaphore, #tpu.memory_space<semaphore_mem>>) {add = true}
      } else {
      }
    }
    %scan3A_117 = arith.constant 401 : i32
    %scan3A_118 = arith.constant 0 : i32
    %scan3A_119 = arith.constant 0 : i32
    %scan3A_120 = arith.constant 2 : i32
    %scan3A_121 = arith.addi %scan3A_119, %scan3A_120 : i32
    %scan3A_122 = arith.constant 1 : i32
    scf.for %scan3A_125 = %scan3A_119 to %scan3A_121 step %scan3A_122  : i32 {
      %dma_wait3A = arith.constant 0 : i32
      %dma_wait3A_126 = arith.constant 0 : i32
      %dma_wait3A_127 = tpu.memref_slice %arg10[%scan3A_125, %dma_wait3A, %dma_wait3A_126] : memref<2x32x128xf32, #tpu.memory_space<vmem>> -> memref<1x32x128xf32, #tpu.memory_space<vmem>>
      %dma_wait3A_128 = tpu.memref_squeeze %dma_wait3A_127 : memref<1x32x128xf32, #tpu.memory_space<vmem>> -> memref<32x128xf32, #tpu.memory_space<vmem>>
      %dma_wait3A_129 = arith.constant 0 : i32
      %dma_wait3A_130 = tpu.memref_slice %arg8[%scan3A_125, %dma_wait3A_129] : memref<2x32xi32, #tpu.memory_space<vmem>> -> memref<1x32xi32, #tpu.memory_space<vmem>>
      %dma_wait3A_131 = tpu.memref_squeeze %dma_wait3A_130 : memref<1x32xi32, #tpu.memory_space<vmem>> -> memref<32xi32, #tpu.memory_space<vmem>>
      %dma_wait3A_132 = arith.constant 0 : i32
      %dma_wait3A_133 = arith.constant 0 : i32
      %dma_wait3A_134 = tpu.memref_slice %arg15[%dma_wait3A_132, %dma_wait3A_133] : memref<10240x128xf32, #tpu.memory_space<vmem_shared>> -> memref<10240x128xf32, #tpu.memory_space<vmem_shared>>
      %dma_wait3A_135 = tpu.memref_slice %arg17[%scan3A_125] : memref<2x!tpu.dma_semaphore, #tpu.memory_space<semaphore_mem>> -> memref<1x!tpu.dma_semaphore, #tpu.memory_space<semaphore_mem>>
      %dma_wait3A_136 = tpu.memref_squeeze %dma_wait3A_135 : memref<1x!tpu.dma_semaphore, #tpu.memory_space<semaphore_mem>> -> memref<!tpu.dma_semaphore, #tpu.memory_space<semaphore_mem>>
      tpu.wait_indirect_dma semaphore(%dma_wait3A_136 : memref<!tpu.dma_semaphore, #tpu.memory_space<semaphore_mem>>) src(%dma_wait3A_128 : memref<32x128xf32, #tpu.memory_space<vmem>>) dst(%dma_wait3A_134 : memref<10240x128xf32, #tpu.memory_space<vmem_shared>>)
    }
    %scan3A_123 = arith.constant 2 : i32
    "tpu.region"() ({
      %run_scoped3A = tpu.sem_alloc : memref<!tpu.dma_semaphore, #tpu.memory_space<semaphore_mem>>
      %dma_start3A = arith.constant 0 : i32
      %dma_start3A_125 = tpu.memref_slice %arg6[%add3A, %dma_start3A] : memref<32x10240xf32, #tpu.memory_space<hbm>> -> memref<1x10240xf32, #tpu.memory_space<hbm>>
      %dma_start3A_126 = tpu.memref_squeeze %dma_start3A_125 : memref<1x10240xf32, #tpu.memory_space<hbm>> -> memref<10240xf32, #tpu.memory_space<hbm>>
      %dma_start3A_127 = arith.constant 0 : i32
      %dma_start3A_128 = tpu.memref_slice %arg6[%add3A, %dma_start3A_127] : memref<32x10240xf32, #tpu.memory_space<hbm>> -> memref<1x10240xf32, #tpu.memory_space<hbm>>
      %dma_start3A_129 = tpu.memref_squeeze %dma_start3A_128 : memref<1x10240xf32, #tpu.memory_space<hbm>> -> memref<10240xf32, #tpu.memory_space<hbm>>
      tpu.enqueue_dma source(%arg12 : memref<10240xf32, #tpu.memory_space<vmem>>) target(%dma_start3A_129 : memref<10240xf32, #tpu.memory_space<hbm>>) target_semaphore(%run_scoped3A : memref<!tpu.dma_semaphore, #tpu.memory_space<semaphore_mem>>)
      %dma_wait3A = arith.constant 0 : i32
      %dma_wait3A_130 = tpu.memref_slice %arg6[%add3A, %dma_wait3A] : memref<32x10240xf32, #tpu.memory_space<hbm>> -> memref<1x10240xf32, #tpu.memory_space<hbm>>
      %dma_wait3A_131 = tpu.memref_squeeze %dma_wait3A_130 : memref<1x10240xf32, #tpu.memory_space<hbm>> -> memref<10240xf32, #tpu.memory_space<hbm>>
      %dma_wait3A_132 = arith.constant 0 : i32
      %dma_wait3A_133 = tpu.memref_slice %arg6[%add3A, %dma_wait3A_132] : memref<32x10240xf32, #tpu.memory_space<hbm>> -> memref<1x10240xf32, #tpu.memory_space<hbm>>
      %dma_wait3A_134 = tpu.memref_squeeze %dma_wait3A_133 : memref<1x10240xf32, #tpu.memory_space<hbm>> -> memref<10240xf32, #tpu.memory_space<hbm>>
      tpu.wait_dma2 semaphore(%run_scoped3A : memref<!tpu.dma_semaphore, #tpu.memory_space<semaphore_mem>>) src(%arg12 : memref<10240xf32, #tpu.memory_space<vmem>>) dst(%dma_wait3A_134 : memref<10240xf32, #tpu.memory_space<hbm>>)
      tpu.yield
    }) : () -> ()
    %barrier3A_124 = arith.constant 0 : index
    tpu.barrier barrier_id(%barrier3A_124)
    "tpu.region"() ({
      %run_scoped3A = tpu.sem_alloc : memref<!tpu.dma_semaphore, #tpu.memory_space<semaphore_mem>>
      %dma_start3A = arith.constant 0 : i32
      %dma_start3A_125 = tpu.memref_slice %arg5[%arg0, %mul3A_26, %dma_start3A] : memref<2x10240x128xf32, #tpu.memory_space<hbm>> -> memref<1x640x128xf32, #tpu.memory_space<hbm>>
      %dma_start3A_126 = tpu.memref_squeeze %dma_start3A_125 : memref<1x640x128xf32, #tpu.memory_space<hbm>> -> memref<640x128xf32, #tpu.memory_space<hbm>>
      %dma_start3A_127 = arith.constant 0 : i32
      %dma_start3A_128 = tpu.memref_slice %arg15[%mul3A_26, %dma_start3A_127] : memref<10240x128xf32, #tpu.memory_space<vmem_shared>> -> memref<640x128xf32, #tpu.memory_space<vmem_shared>>
      tpu.enqueue_dma source(%dma_start3A_128 : memref<640x128xf32, #tpu.memory_space<vmem_shared>>) target(%dma_start3A_126 : memref<640x128xf32, #tpu.memory_space<hbm>>) target_semaphore(%run_scoped3A : memref<!tpu.dma_semaphore, #tpu.memory_space<semaphore_mem>>)
      %dma_wait3A = arith.constant 0 : i32
      %dma_wait3A_129 = tpu.memref_slice %arg5[%arg0, %mul3A_26, %dma_wait3A] : memref<2x10240x128xf32, #tpu.memory_space<hbm>> -> memref<1x640x128xf32, #tpu.memory_space<hbm>>
      %dma_wait3A_130 = tpu.memref_squeeze %dma_wait3A_129 : memref<1x640x128xf32, #tpu.memory_space<hbm>> -> memref<640x128xf32, #tpu.memory_space<hbm>>
      %dma_wait3A_131 = arith.constant 0 : i32
      %dma_wait3A_132 = tpu.memref_slice %arg15[%mul3A_26, %dma_wait3A_131] : memref<10240x128xf32, #tpu.memory_space<vmem_shared>> -> memref<640x128xf32, #tpu.memory_space<vmem_shared>>
      tpu.wait_dma2 semaphore(%run_scoped3A : memref<!tpu.dma_semaphore, #tpu.memory_space<semaphore_mem>>) src(%dma_wait3A_132 : memref<640x128xf32, #tpu.memory_space<vmem_shared>>) dst(%dma_wait3A_130 : memref<640x128xf32, #tpu.memory_space<hbm>>)
      tpu.yield
    }) : () -> ()
    return
  }
}

module attributes {stable_mosaic.version = 14 : i64} {
  func.func @_proj_body(%arg0: i32, %arg1: memref<1024x128xf32, #tpu.memory_space<vmem>>, %arg2: memref<128x128xf32, #tpu.memory_space<vmem>>, %arg3: memref<128x128xf32, #tpu.memory_space<vmem>>, %arg4: memref<1x128xf32, #tpu.memory_space<vmem>>, %arg5: memref<1x128xf32, #tpu.memory_space<vmem>>, %arg6: memref<2x1024x128xf32, #tpu.memory_space<vmem>>) attributes {dimension_semantics = [#tpu.dimension_semantics<arbitrary>], iteration_bounds = array<i64: 10>, scalar_prefetch = 0 : i64, scratch_operands = 0 : i64, tpu.core_type = #tpu.core_type<tc>, window_params = [{transform_indices = @transform_0, window_bounds = array<i64: 1024, 128>}, {pipeline_mode = #tpu.pipeline_mode<synchronous>, transform_indices = @transform_1, window_bounds = array<i64: 128, 128>}, {pipeline_mode = #tpu.pipeline_mode<synchronous>, transform_indices = @transform_2, window_bounds = array<i64: 128, 128>}, {pipeline_mode = #tpu.pipeline_mode<synchronous>, transform_indices = @transform_3, window_bounds = array<i64: 1, 128>}, {pipeline_mode = #tpu.pipeline_mode<synchronous>, transform_indices = @transform_4, window_bounds = array<i64: 1, 128>}, {transform_indices = @transform_5, window_bounds = array<i64: 2, 1024, 128>}]} {
    %get3A = arith.constant 0 : index
    %get3A_0 = arith.constant 0 : index
    %get3A_1 = vector.load %arg1[%get3A, %get3A_0] : memref<1024x128xf32, #tpu.memory_space<vmem>>, vector<1024x128xf32>
    %get3A_2 = arith.constant 0 : index
    %get3A_3 = arith.constant 0 : index
    %get3A_4 = vector.load %arg2[%get3A_2, %get3A_3] : memref<128x128xf32, #tpu.memory_space<vmem>>, vector<128x128xf32>
    %dot_general3A = arith.constant dense<0.000000e+00> : vector<1024x128xf32>
    %dot_general3A_5 = tpu.matmul %get3A_1, %get3A_4, %dot_general3A {dimension_numbers = #tpu.dot_dimension_numbers<[1], [0], [0], [1], [0, 0, 1, 1], [], []>, transpose_lhs_hint = false} : vector<1024x128xf32>, vector<128x128xf32>, vector<1024x128xf32> -> vector<1024x128xf32>
    %get3A_6 = arith.constant 0 : index
    %get3A_7 = arith.constant 0 : index
    %get3A_8 = vector.load %arg4[%get3A_6, %get3A_7] : memref<1x128xf32, #tpu.memory_space<vmem>>, vector<1x128xf32>
    %add3A = vector.broadcast %get3A_8 : vector<1x128xf32> to vector<1024x128xf32>
    %add3A_9 = arith.addf %dot_general3A_5, %add3A : vector<1024x128xf32>
    %swap3A = arith.constant 0 : index
    %swap3A_10 = arith.constant 0 : index
    %swap3A_11 = arith.constant 0 : index
    %swap3A_12 = vector.load %arg6[%swap3A, %swap3A_10, %swap3A_11] : memref<2x1024x128xf32, #tpu.memory_space<vmem>>, vector<1x1024x128xf32>
    %swap3A_13 = vector.shape_cast %swap3A_12 : vector<1x1024x128xf32> to vector<1024x128xf32>
    %swap3A_14 = vector.shape_cast %add3A_9 : vector<1024x128xf32> to vector<1x1024x128xf32>
    tpu.vector_store %arg6[%swap3A, %swap3A_10, %swap3A_11], %swap3A_14 {strides = array<i32>} : memref<2x1024x128xf32, #tpu.memory_space<vmem>>, vector<1x1024x128xf32>,
    %get3A_15 = arith.constant 0 : index
    %get3A_16 = arith.constant 0 : index
    %get3A_17 = vector.load %arg3[%get3A_15, %get3A_16] : memref<128x128xf32, #tpu.memory_space<vmem>>, vector<128x128xf32>
    %dot_general3A_18 = arith.constant dense<0.000000e+00> : vector<1024x128xf32>
    %dot_general3A_19 = tpu.matmul %get3A_1, %get3A_17, %dot_general3A_18 {dimension_numbers = #tpu.dot_dimension_numbers<[1], [0], [0], [1], [0, 0, 1, 1], [], []>, transpose_lhs_hint = false} : vector<1024x128xf32>, vector<128x128xf32>, vector<1024x128xf32> -> vector<1024x128xf32>
    %get3A_20 = arith.constant 0 : index
    %get3A_21 = arith.constant 0 : index
    %get3A_22 = vector.load %arg5[%get3A_20, %get3A_21] : memref<1x128xf32, #tpu.memory_space<vmem>>, vector<1x128xf32>
    %add3A_23 = vector.broadcast %get3A_22 : vector<1x128xf32> to vector<1024x128xf32>
    %add3A_24 = arith.addf %dot_general3A_19, %add3A_23 : vector<1024x128xf32>
    %swap3A_25 = arith.constant 1 : index
    %swap3A_26 = arith.constant 0 : index
    %swap3A_27 = arith.constant 0 : index
    %swap3A_28 = vector.load %arg6[%swap3A_25, %swap3A_26, %swap3A_27] : memref<2x1024x128xf32, #tpu.memory_space<vmem>>, vector<1x1024x128xf32>
    %swap3A_29 = vector.shape_cast %swap3A_28 : vector<1x1024x128xf32> to vector<1024x128xf32>
    %swap3A_30 = vector.shape_cast %add3A_24 : vector<1024x128xf32> to vector<1x1024x128xf32>
    tpu.vector_store %arg6[%swap3A_25, %swap3A_26, %swap3A_27], %swap3A_30 {strides = array<i32>} : memref<2x1024x128xf32, #tpu.memory_space<vmem>>, vector<1x1024x128xf32>,
    return
  }
  func.func @transform_0(%arg0: i32) -> (i32, i32) {
    %c0_i32 = arith.constant 0 : i32
    %c0_i32_0 = arith.constant 0 : i32
    return %arg0, %c0_i32 : i32, i32
  }
  func.func @transform_1(%arg0: i32) -> (i32, i32) {
    %c0_i32 = arith.constant 0 : i32
    %c0_i32_0 = arith.constant 0 : i32
    %c0_i32_1 = arith.constant 0 : i32
    return %c0_i32, %c0_i32_0 : i32, i32
  }
  func.func @transform_2(%arg0: i32) -> (i32, i32) {
    %c0_i32 = arith.constant 0 : i32
    %c0_i32_0 = arith.constant 0 : i32
    %c0_i32_1 = arith.constant 0 : i32
    return %c0_i32, %c0_i32_0 : i32, i32
  }
  func.func @transform_3(%arg0: i32) -> (i32, i32) {
    %c0_i32 = arith.constant 0 : i32
    %c0_i32_0 = arith.constant 0 : i32
    %c0_i32_1 = arith.constant 0 : i32
    return %c0_i32, %c0_i32_0 : i32, i32
  }
  func.func @transform_4(%arg0: i32) -> (i32, i32) {
    %c0_i32 = arith.constant 0 : i32
    %c0_i32_0 = arith.constant 0 : i32
    %c0_i32_1 = arith.constant 0 : i32
    return %c0_i32, %c0_i32_0 : i32, i32
  }
  func.func @transform_5(%arg0: i32) -> (i32, i32, i32) {
    %c0_i32 = arith.constant 0 : i32
    %c0_i32_0 = arith.constant 0 : i32
    %c0_i32_1 = arith.constant 0 : i32
    return %c0_i32, %arg0, %c0_i32_0 : i32, i32, i32
  }
}

module attributes {stable_mosaic.version = 14 : i64} {
  func.func @_final_body(%arg0: i32, %arg1: memref<2x1024x128xf32, #tpu.memory_space<vmem>>, %arg2: memref<32x1024xf32, #tpu.memory_space<vmem>>, %arg3: memref<2x1024x128xf32, #tpu.memory_space<vmem>>, %arg4: memref<1x128xf32, #tpu.memory_space<vmem>>, %arg5: memref<1x128xf32, #tpu.memory_space<vmem>>, %arg6: memref<1024x128xf32, #tpu.memory_space<vmem>>) attributes {dimension_semantics = [#tpu.dimension_semantics<arbitrary>], iteration_bounds = array<i64: 10>, scalar_prefetch = 0 : i64, scratch_operands = 0 : i64, tpu.core_type = #tpu.core_type<tc>, window_params = [{transform_indices = @transform_0, window_bounds = array<i64: 2, 1024, 128>}, {transform_indices = @transform_1, window_bounds = array<i64: 32, 1024>}, {transform_indices = @transform_2, window_bounds = array<i64: 2, 1024, 128>}, {pipeline_mode = #tpu.pipeline_mode<synchronous>, transform_indices = @transform_3, window_bounds = array<i64: 1, 128>}, {pipeline_mode = #tpu.pipeline_mode<synchronous>, transform_indices = @transform_4, window_bounds = array<i64: 1, 128>}, {transform_indices = @transform_5, window_bounds = array<i64: 1024, 128>}]} {
    %get3A = arith.constant 0 : index
    %get3A_0 = arith.constant 0 : index
    %get3A_1 = arith.constant 0 : index
    %get3A_2 = vector.load %arg3[%get3A, %get3A_0, %get3A_1] : memref<2x1024x128xf32, #tpu.memory_space<vmem>>, vector<1x1024x128xf32>
    %get3A_3 = vector.shape_cast %get3A_2 : vector<1x1024x128xf32> to vector<1024x128xf32>
    %get3A_4 = arith.constant 1 : index
    %get3A_5 = arith.constant 0 : index
    %get3A_6 = arith.constant 0 : index
    %get3A_7 = vector.load %arg3[%get3A_4, %get3A_5, %get3A_6] : memref<2x1024x128xf32, #tpu.memory_space<vmem>>, vector<1x1024x128xf32>
    %get3A_8 = vector.shape_cast %get3A_7 : vector<1x1024x128xf32> to vector<1024x128xf32>
    %add3A = arith.addf %get3A_3, %get3A_8 : vector<1024x128xf32>
    %mul3A = arith.constant 2.000000e-01 : f32
    %mul3A_9 = vector.broadcast %mul3A : f32 to vector<1024x128xf32>
    %mul3A_10 = arith.mulf %mul3A_9, %add3A : vector<1024x128xf32>
    %max3A = arith.maximumf %add3A, %mul3A_10 : vector<1024x128xf32>
    %get3A_11 = arith.constant 0 : index
    %get3A_12 = arith.constant 0 : index
    %get3A_13 = vector.load %arg4[%get3A_11, %get3A_12] : memref<1x128xf32, #tpu.memory_space<vmem>>, vector<1x128xf32>
    %mul3A_14 = vector.broadcast %get3A_13 : vector<1x128xf32> to vector<1024x128xf32>
    %mul3A_15 = arith.mulf %max3A, %mul3A_14 : vector<1024x128xf32>
    %reduce_sum3A = arith.constant dense<0.000000e+00> : vector<1024xf32>
    %reduce_sum3A_16 = vector.multi_reduction <add>, %mul3A_15, %reduce_sum3A [1] : vector<1024x128xf32> to vector<1024xf32>
    %broadcast_in_dim3A = vector.shape_cast %reduce_sum3A_16 : vector<1024xf32> to vector<1024x1xf32>
    %exp3A = math.exp %broadcast_in_dim3A : vector<1024x1xf32>
    %get3A_17 = arith.constant 0 : index
    %get3A_18 = arith.constant 0 : index
    %get3A_19 = arith.constant 0 : index
    %get3A_20 = vector.load %arg1[%get3A_17, %get3A_18, %get3A_19] : memref<2x1024x128xf32, #tpu.memory_space<vmem>>, vector<1x1024x128xf32>
    %get3A_21 = vector.shape_cast %get3A_20 : vector<1x1024x128xf32> to vector<1024x128xf32>
    %get3A_22 = arith.constant 1 : index
    %get3A_23 = arith.constant 0 : index
    %get3A_24 = arith.constant 0 : index
    %get3A_25 = vector.load %arg1[%get3A_22, %get3A_23, %get3A_24] : memref<2x1024x128xf32, #tpu.memory_space<vmem>>, vector<1x1024x128xf32>
    %get3A_26 = vector.shape_cast %get3A_25 : vector<1x1024x128xf32> to vector<1024x128xf32>
    %add3A_27 = arith.addf %get3A_21, %get3A_26 : vector<1024x128xf32>
    %mul3A_28 = vector.broadcast %exp3A : vector<1024x1xf32> to vector<1024x128xf32>
    %mul3A_29 = arith.mulf %mul3A_28, %get3A_3 : vector<1024x128xf32>
    %add3A_30 = arith.addf %add3A_27, %mul3A_29 : vector<1024x128xf32>
    %get3A_31 = arith.constant 0 : index
    %get3A_32 = arith.constant 0 : index
    %get3A_33 = vector.load %arg2[%get3A_31, %get3A_32] : memref<32x1024xf32, #tpu.memory_space<vmem>>, vector<32x1024xf32>
    %reduce_sum3A_34 = arith.constant dense<0.000000e+00> : vector<1024xf32>
    %reduce_sum3A_35 = vector.multi_reduction <add>, %get3A_33, %reduce_sum3A_34 [0] : vector<32x1024xf32> to vector<1024xf32>
    %broadcast_in_dim3A_36 = vector.shape_cast %reduce_sum3A_35 : vector<1024xf32> to vector<1024x1xf32>
    %add3A_37 = arith.addf %broadcast_in_dim3A_36, %exp3A : vector<1024x1xf32>
    %add3A_38 = arith.constant 1.000000e-16 : f32
    %add3A_39 = vector.broadcast %add3A_38 : f32 to vector<1024x1xf32>
    %add3A_40 = arith.addf %add3A_37, %add3A_39 : vector<1024x1xf32>
    %div3A = vector.broadcast %add3A_40 : vector<1024x1xf32> to vector<1024x128xf32>
    %div3A_41 = arith.divf %add3A_30, %div3A : vector<1024x128xf32>
    %get3A_42 = arith.constant 0 : index
    %get3A_43 = arith.constant 0 : index
    %get3A_44 = vector.load %arg5[%get3A_42, %get3A_43] : memref<1x128xf32, #tpu.memory_space<vmem>>, vector<1x128xf32>
    %add3A_45 = vector.broadcast %get3A_44 : vector<1x128xf32> to vector<1024x128xf32>
    %add3A_46 = arith.addf %div3A_41, %add3A_45 : vector<1024x128xf32>
    %swap3A = arith.constant 0 : index
    %swap3A_47 = arith.constant 0 : index
    %swap3A_48 = vector.load %arg6[%swap3A, %swap3A_47] : memref<1024x128xf32, #tpu.memory_space<vmem>>, vector<1024x128xf32>
    tpu.vector_store %arg6[%swap3A, %swap3A_47], %add3A_46 {strides = array<i32>} : memref<1024x128xf32, #tpu.memory_space<vmem>>, vector<1024x128xf32>,
    return
  }
  func.func @transform_0(%arg0: i32) -> (i32, i32, i32) {
    %c0_i32 = arith.constant 0 : i32
    %c0_i32_0 = arith.constant 0 : i32
    %c0_i32_1 = arith.constant 0 : i32
    return %c0_i32, %arg0, %c0_i32_0 : i32, i32, i32
  }
  func.func @transform_1(%arg0: i32) -> (i32, i32) {
    %c0_i32 = arith.constant 0 : i32
    %c0_i32_0 = arith.constant 0 : i32
    return %c0_i32, %arg0 : i32, i32
  }
  func.func @transform_2(%arg0: i32) -> (i32, i32, i32) {
    %c0_i32 = arith.constant 0 : i32
    %c0_i32_0 = arith.constant 0 : i32
    %c0_i32_1 = arith.constant 0 : i32
    return %c0_i32, %arg0, %c0_i32_0 : i32, i32, i32
  }
  func.func @transform_3(%arg0: i32) -> (i32, i32) {
    %c0_i32 = arith.constant 0 : i32
    %c0_i32_0 = arith.constant 0 : i32
    %c0_i32_1 = arith.constant 0 : i32
    return %c0_i32, %c0_i32_0 : i32, i32
  }
  func.func @transform_4(%arg0: i32) -> (i32, i32) {
    %c0_i32 = arith.constant 0 : i32
    %c0_i32_0 = arith.constant 0 : i32
    %c0_i32_1 = arith.constant 0 : i32
    return %c0_i32, %c0_i32_0 : i32, i32
  }
  func.func @transform_5(%arg0: i32) -> (i32, i32) {
    %c0_i32 = arith.constant 0 : i32
    %c0_i32_0 = arith.constant 0 : i32
    return %arg0, %c0_i32 : i32, i32
  }
}

</mosaic_0001>

<sc_bundles>
// kernel: kernel.5.cloned.1.call-start
scs
__scs_entry_jumppad:
0x0: {  	(pc) =	sbr.rel $0x88, $3  }
0x1: {  	(tag) =	ssettag $0x0;
	lr =	simm.s32 $0x1  }
0x2: {  	[smem:$0x3F99] =	sst lr;
	_ =	strace $0xD0000000  }
0x3: {  	_ = 	snop  }
0x4: {  	_ = 	snop  }
0x5: {  	_ = 	snop  }
0x6: {  	_ = 	snop  }
0x7: {  	_ = 	snop  }
__scs_overlays_trampoline_lowered:
0x8: {  	[smem:$0x3FA8] =	sst s0  }
0x9: {  	[smem:$0x3FA9] =	sst s1  }
0xa: {  	[smem:$0x3FAA] =	sst s2  }
0xb: {  	[smem:$0x3FAB] =	sst s3  }
0xc: {  	[smem:$0x3FAC] =	sst s4  }
0xd: {  	[smem:$0x3FAD] =	sst s5  }
0xe: {  	[smem:$0x3FAE] =	sst s6  }
0xf: {  	[smem:$0x3FAF] =	sst s7  }
0x10: {  	[smem:$0x3FB0] =	sst s8  }
0x11: {  	[smem:$0x3FB1] =	sst s9;
	s0 =	simm.s32 @!p0 $0x0  }
0x12: {  	s1 =	sld [smem:$0x3F97];
	s0 =	simm.s32 @p0 $0x1  }
0x13: {  	[smem:$0x3FB2] =	sst s0;
	s0 =	simm.s32 @!p1 $0x0  }
0x14: {  	s2 =	sld [smem:$0x3F96];
	s0 =	simm.s32 @p1 $0x1  }
0x15: {  	[smem:$0x3FB3] =	sst s0;
	s0 =	simm.s32 @!p2 $0x0  }
0x16: {  	s3 =	sld [smem:$0x3FDB];
	s0 =	simm.s32 @p2 $0x1  }
0x17: {  	s4 =	simm.s32 $0x1BF5;
	[smem:$0x3FB5] =	sst s0  }
0x18: {  	s0 =	sld [smem:$0x3F98];
	_ =	swait.ge [sflag:s4], $0x0  }
0x19: {  	s7 =	sld [smem:$0x3F99]  }
0x1a: {  	s8 =	sadd.s32 $0xFFFFE003, lr  }
0x1b: {  	s9 =	sadd.s32 $0xFFFFFEF7, lr;
	s5 =	simm.s32 $0xFFFFFFFF;
	p2 =	slt.u32 s8, $0xFFFFF086  }
0x1c: {  	p1 =	slt.u32 s9, $0xF7A;
	s5 =	simm.s32 @!p2 $0x0  }
0x1d: {  	s5 =	simm.s32 @p1 $0x1;
	p0 =	seq.s32 s7, s2  }
0x1e: {  	s7 =	smul.u32 @!p0 $0xF7A, s2;
	p2 =	seq.s32 @!p0 s5, $0x0  }
0x1f: {  	s9 =	smul.u32 $0xF7A, s1;
	s8 =	simm.s32 @!p0 $0x1BF5;
	p2 =	por !p2, p0  }
0x20: {  	[sflag:s8] =	ssyncset.s32 @!p0 $0xFFFFF086;
	s6 =	sadd.s32 @!p0 s3, s7;
	s7 =	simm.s32 @!p0 $0x108  }
0x21: {  	s3 =	sadd.s32 s3, s9;
	s6 =	sadd.s32 @!p0 $0x88, s6;
	s7 =	simm.s32 @p2 $0x1082  }
0x22: {  	[simem:s7], [sflag:s8] =	dma.local @!p0 [hbm:s6], $0xF7A  }
0x23: {  	s9 =	sor.u32 $0xD0000000, s2;
	s6 =	simm.s32 $0x108;
	_ =	swait.ge @!p0 [sflag:s8], $0x0  }
0x24: {  	s3 =	sadd.s32 $0x88, s3;
	s6 =	simm.s32 @!p1 $0x1082;
	[sflag:s4] =	ssyncset.s32 $0xFFFFF086  }
0x25: {  	[simem:s6], [sflag:s4] =	dma.local [hbm:s3], $0xF7A  }
0x26: {  	[smem:$0x3F99] =	sst s1;
	(tag) =	ssettag s2;
	_ =	strace s9  }
0x27: {  	s1 =	sld [smem:$0x3FA9]  }
0x28: {  	s2 =	sld [smem:$0x3FAA]  }
0x29: {  	s4 =	sld [smem:$0x3FAC]  }
0x2a: {  	p0 =	seq.s32 s5, $0x0;
	s5 =	sld [smem:$0x3FAD]  }
0x2b: {  	s6 =	sld [smem:$0x3FAE]  }
0x2c: {  	s7 =	sld [smem:$0x3FAF]  }
0x2d: {  	s3 =	simm.s32 $0x108;
	s8 =	sld [smem:$0x3FB0]  }
0x2e: {  	s3 =	simm.s32 @!p0 $0x1082;
	s9 =	sld [smem:$0x3FB1]  }
0x2f: {  	lr =	sadd.s32 s0, s3;
	s0 =	sld [smem:$0x3FA8]  }
0x30: {  	s3 =	sld [smem:$0x3FAB]  }
0x31: {  	[smem:$0x3FB4] =	sst s10  }
0x32: {  	s10 =	sld [smem:$0x3FB2];
	_ =	sdelay $0x3  }
0x33: {  	p0 =	seq.s32 s10, $0x1;
	s10 =	sld [smem:$0x3FB4];
	_ =	sdelay $0x3  }
0x34: {  	[smem:$0x3FB4] =	sst s10  }
0x35: {  	s10 =	sld [smem:$0x3FB3];
	_ =	sdelay $0x3  }
0x36: {  	p1 =	seq.s32 s10, $0x1;
	s10 =	sld [smem:$0x3FB4];
	_ =	sdelay $0x3  }
0x37: {  	[smem:$0x3FB4] =	sst s10  }
0x38: {  	s10 =	sld [smem:$0x3FB5]  }
0x39: {  	_ = 	snop;
	(pc) =	sbr.ind lr, $3  }
0x3a: {  	_ = 	snop  }
0x3b: {  	_ = 	snop  }
0x3c: {  	p2 =	seq.s32 s10, $0x1;
	s10 =	sld [smem:$0x3FB4]  }
0x3d: {  	_ =	shalt  }
0x3e: {  	_ =	shalt  }
0x3f: {  	_ =	shalt  }
0x40: {  	_ =	shalt  }
0x41: {  	_ =	shalt  }
0x42: {  	_ =	shalt  }
0x43: {  	_ =	shalt  }
0x44: {  	_ =	shalt  }
0x45: {  	_ =	shalt  }
0x46: {  	_ =	shalt  }
0x47: {  	_ =	shalt  }
0x48: {  	_ =	shalt  }
0x49: {  	_ =	shalt  }
0x4a: {  	_ =	shalt  }
0x4b: {  	_ =	shalt  }
0x4c: {  	_ =	shalt  }
0x4d: {  	_ =	shalt  }
0x4e: {  	_ =	shalt  }
0x4f: {  	_ =	shalt  }
0x50: {  	_ =	shalt  }
0x51: {  	_ =	shalt  }
0x52: {  	_ =	shalt  }
0x53: {  	_ =	shalt  }
0x54: {  	_ =	shalt  }
0x55: {  	_ =	shalt  }
0x56: {  	_ =	shalt  }
0x57: {  	_ =	shalt  }
0x58: {  	_ =	shalt  }
0x59: {  	_ =	shalt  }
0x5a: {  	_ =	shalt  }
0x5b: {  	_ =	shalt  }
0x5c: {  	_ =	shalt  }
0x5d: {  	_ =	shalt  }
0x5e: {  	_ =	shalt  }
0x5f: {  	_ =	shalt  }
0x60: {  	_ =	shalt  }
0x61: {  	_ =	shalt  }
0x62: {  	_ =	shalt  }
0x63: {  	_ =	shalt  }
0x64: {  	_ =	shalt  }
0x65: {  	_ =	shalt  }
0x66: {  	_ =	shalt  }
0x67: {  	_ =	shalt  }
0x68: {  	_ =	shalt  }
0x69: {  	_ =	shalt  }
0x6a: {  	_ =	shalt  }
0x6b: {  	_ =	shalt  }
0x6c: {  	_ =	shalt  }
0x6d: {  	_ =	shalt  }
0x6e: {  	_ =	shalt  }
0x6f: {  	_ =	shalt  }
0x70: {  	_ =	shalt  }
0x71: {  	_ =	shalt  }
0x72: {  	_ =	shalt  }
0x73: {  	_ =	shalt  }
0x74: {  	_ =	shalt  }
0x75: {  	_ =	shalt  }
0x76: {  	_ =	shalt  }
0x77: {  	_ =	shalt  }
0x78: {  	_ =	shalt  }
0x79: {  	_ =	shalt  }
0x7a: {  	_ =	shalt  }
0x7b: {  	_ =	shalt  }
0x7c: {  	_ =	shalt  }
0x7d: {  	_ =	shalt  }
0x7e: {  	_ =	shalt  }
0x7f: {  	_ =	shalt  }
0x80: {  	_ =	shalt  }
0x81: {  	_ =	shalt  }
0x82: {  	_ =	shalt  }
0x83: {  	_ =	shalt  }
0x84: {  	_ =	shalt  }
0x85: {  	_ =	shalt  }
0x86: {  	_ =	shalt  }
0x87: {  	_ =	shalt  }
.Lfunc_end0:
.L_simem_size_0:
called_computation_lowered:
.L_overlay_start_0:
0x88: {  	s2 =	sld [smem:$0x3FD9]  }
0x89: {  	s3 =	sld [smem:$0x3FFE];
	_ =	sdelay $0x1  }
0x8a: {  	s1 =	srdreg.scid  }
0x8b: {  	s0 =	sand.u32 $0x1, s1  }
0x8c: {  	s17 =	sshll.u32 s0, $0xA;
	s2 =	sadd.s32 s3, s2  }
0x8d: {  	s2 =	sadd.s32 s2, s17  }
0x8e: {  	[smem:$0x3FC0] =	sst s2  }
0x8f: {  	_ = 	snop  }
0x90: {  	s2 =	sld [smem:$0x3FC3]  }
0x91: {  	s18 =	sld [smem:$0x3FD0];
	(tm) =	ssettm $0x1  }
0x92: {  	s4 =	sld [smem:$0x3FFB];
	_ =	sdelay $0x3  }
0x93: {  	_ =	strace s4  }
0x94: {  	s4 =	sld [smem:$0x3FFC];
	_ =	sdelay $0x3  }
0x95: {  	_ =	strace s4  }
0x96: {  	s4 =	sld [smem:$0x3FFD];
	_ =	sdelay $0x3  }
0x97: {  	_ =	strace s4  }
0x98: {  	_ =	strace $0x8FFFFFFF  }
0x99: {  	s19 =	sld [smem:$0x3FDB];
	_ =	sdelay $0x1  }
0x9a: {  	s5 =	simm.s32 $_scs_section_size  }
0x9b: {  	s6 =	simm.s32 $_size__tile_overlayer_lowered;
	s7 =	simm.s32 $_tile_overlayer_lowered  }
0x9c: {  	s22 =	simm.s32 $0x1BFF;
	s21 =	sshll.u32 s7, $0x1;
	s4 =	sadd.s32 s5, s19  }
0x9d: {  	s8 =	simm.s32 $0x0;
	s20 =	sshll.u32 s6, $0x1;
	s6 =	sadd.s32 s21, s4  }
0x9e: {  	[timem:s8], [sflag:s22] =	dma.local [hbm:s6], s20  }
0x9f: {  	_ =	swait.ge [sflag:s22], s20  }
0xa0: {  	s5 =	ssub.s32 $0x0, s20;
	[sflag:s22] =	ssyncset.done $0x0  }
0xa1: {  	[sflag:s22] =	ssyncadd.s32 s5;
	_ =	sdelay $0x1  }
0xa2: {  	s23 =	simm.s32 $0x1B8B  }
0xa3: {  	_ =	swait.ge [sflag:s23], $0x1  }
0xa4: {  	[sflag:s23] =	ssyncset.done $0x0  }
0xa5: {  	s25 =	simm.s32 $0x1B8E;
	s24 =	sld [smem:$0x3FFE];
	[sflag:s23] =	ssyncadd.s32 $0xFFFFFFFF  }
0xa6: {  	s26 =	simm.s32 $execute0_lowered;
	[smem:$0x3FD2] =	sst s25  }
0xa7: {  	s6 =	sshll.u32 s26, $0x1;
	_ =	strace $0x80000046;
	[dreg:$0x1] =	wrdreg $0xFFFFFFFF  }
0xa8: {  	s28 =	simm.s32 $_size_execute0_lowered;
	s4 =	sadd.s32 s4, s6;
	[dreg:$0x0] =	wrdreg $0x0  }
0xa9: {  	s6 =	sshll.u32 s28, $0x1;
	[dreg:$0x2] =	wrdreg s4  }
0xaa: {  	[dreg:$0x3] =	wrdreg s6  }
0xab: {  	[dreg:$0x4] =	wrdreg $0xC0  }
0xac: {  	_ =	task [dreg:s8], $0x5FFFF  }
0xad: {  	[dreg:$0x1] =	wrdreg $0xFFFFFFFF  }
0xae: {  	[dreg:$0x0] =	wrdreg $0x60  }
0xaf: {  	[dreg:$0x2] =	wrdreg s24  }
0xb0: {  	[dreg:$0x3] =	wrdreg s2  }
0xb1: {  	[dreg:$0x4] =	wrdreg s18  }
0xb2: {  	[dreg:$0x5] =	wrdreg $0xBE000  }
0xb3: {  	[dreg:$0x6] =	wrdreg $0x9  }
0xb4: {  	_ =	task.clear_ibuf [dreg:s8], $0x7FFFF;
	_ =	strace $0x90000046  }
0xb5: {  	s29 =	simm.s32 $0x9;
	_ =	strace $0x80000048  }
0xb6: {  	_ =	swait.ge [sflag:s29], $0x1  }
0xb7: {  	[sflag:s29] =	ssyncadd.s32 $0xFFFFFFFF  }
0xb8: {  	_ =	strace $0x90000048  }
0xb9: {  	_ =	sfence  }
0xba: {  	s30 =	sld [smem:$0x0];
	_ =	sdelay $0x2  }
0xbb: {  	s31 =	sshll.u32 s1, $0xD;
	s1 =	sshrl.u32 s1, $0x2  }
0xbc: {  	s3 =	sand.u32 $0x4000, s31;
	s1 =	sadd.s32 s1, s30  }
0xbd: {  	s0 =	sor.u32 s3, s0;
	s1 =	sshll.u32 s1, $0x11  }
0xbe: {  	s0 =	sor.u32 s1, s0  }
0xbf: {  	s0 =	sadd.s32 $0x8F2B, s0  }
0xc0: {  	[sflag:s0] =	ssyncadd.remote.s32 $0x1  }
0xc1: {  	_ =	sfence.sel $0xFFFF  }
0xc2: {  	[dreg:$0x0] =	wrdreg $0xFFFFFFFF;
	(pc) =	sbr.abs _section_cstart, $3  }
0xc3: {  	[dreg:$0x1] =	wrdreg $0xFFFFFFFF  }
0xc4: {  	_ =	task.clear_ibuf [dreg:s8], $0x2FFFF;
	_ =	strace $0x9FFFFFFF  }
0xc5: {  	(tm) =	ssettm $0x7FFFFFFF  }
tec
execute0_lowered:
.L_overlay_start_1:
0x0: {  	(tag) =	ssettag $0x1  }
0x1: {  	s0 =	rddreg [dreg:$0x0]  }
0x2: {  	s1 =	rddreg [dreg:$0x2]  }
0x3: {  	s2 =	srdreg.scid;
	s12 =	stileid.u32  }
0x4: {  	s3 =	rddreg [dreg:$0x3];
	s5 =	smul.u32 $0x14000, s12  }
0x5: {  	s6 =	simm.s32 $0x0;
	s28 =	simm.s32 $0x20;
	s8 =	smul.u32 $0x50000, s12  }
0x6: {  	s29 =	simm.s32 $0x3;
	s30 =	simm.s32 $0x4;
	s20 =	smul.u32 $0xF0, s12  }
0x7: {  	s2 =	sand.u32 $0x1, s2;
	[smem:$0x7FF] =	sst s6;
	s11 =	smul.u32 $0x190, s12  }
0x8: {  	s6 =	sadd.s32 $0x1A00, s0;
	s24 =	sshll.u32 s12, $0x7;
	s4 =	smul.u32 $0x140000, s2  }
0x9: {  	_ =	strace $0x80000047;
	s7 =	ssub.s32 $0x2, s2;
	s19 =	sshll.u32 s2, $0x4  }
0xa: {  	p0 =	seq.s32 s2, $0x0;
	s18 =	sshrl.u32 s7, $0x1;
	s10 =	sor.u32 s12, s19  }
0xb: {  	s9 =	sshrl.u32 s8, $0x2;
	s8 =	sadd.s32 $0x1900, s20;
	s4 =	sadd.s32 s5, s4  }
0xc: {  	s5 =	sadd.s32 $0x29A00, s0;
	s9 =	sadd.s32 s9, s3;
	s8 =	smov.u32 @p0 s11  }
0xd: {  	s22 =	sshrl.u32 s10, $0x3;
	s10 =	sand.u32 $0x380, s24;
	s24 =	simm.s32 $0x9E00  }
0xe: {  	s4 =	sshrl.u32 s4, $0x3;
	s21 =	sadd.s32 $0x2000, s9;
	s23 =	sadd.s32 $0x4000, s9  }
0xf: {  	s2 =	smul.u32 $0x14000, s22;
	s25 =	sadd.s32 $0x6000, s9;
	s26 =	sadd.s32 $0x8000, s9  }
0x10: {  	s31 =	sadd.s32 $0xA000, s9;
	s15 =	sadd.s32 $0xC000, s9;
	[dreg:$0x5] =	wrdreg s21  }
0x11: {  	s16 =	sadd.s32 $0xE000, s9;
	s17 =	sadd.s32 $0x10000, s9;
	[dreg:$0x6] =	wrdreg s23  }
0x12: {  	v0 =	vimm.f32 $0.0e+00;
	s0 =	sadd.s32 s4, s0;
	s4 =	ssub.s32 s7, s18;
	[dreg:$0x7] =	wrdreg s25  }
.Ltmp0:
0x13: {  	vm0 =	vcmask $0x704;
	vm1 =	vcmask $0xB08;
	vm2 =	vcmask $0xF0C;
	s7 =	simm.s32 $0x190;
	[dreg:$0x8] =	wrdreg s26;
	(pc) =	sbr.rel .LBB2_1-.Ltmp0, $4  }
0x14: {  	vm3 =	vcmask $0x1310;
	vm4 =	vcmask $0x1714;
	vm5 =	vcmask $0x1B18;
	[dreg:$0x9] =	wrdreg s31;
	s18 =	sadd.s32 $0x12000, s9;
	s23 =	simm.s32 $0x5  }
0x15: {  	vm6 =	vcmask $0x1F1C;
	vm7 =	vcmask $0x2320;
	vm8 =	vcmask $0x2724;
	s25 =	simm.s32 $0x7500;
	s26 =	simm.s32 $0x7580;
	s2 =	sor.u32 s10, s2  }
0x16: {  	vm9 =	vcmask $0x2B28;
	vm10 =	vcmask $0x2F2C;
	vm11 =	vcmask $0x3330;
	s7 =	simm.s32 @!p0 $0xF0;
	s20 =	sadd.s32 $0x79A00, s0;
	s2 =	sshrl.u32 s2, $0x3  }
0x17: {  	vm12 =	vcmask $0x3734;
	vm13 =	vcmask $0x3B38;
	vm14 =	vcmask $0x3F3C;
	s21 =	smax.u32 s4, $0x1;
	s0 =	simm.s32 $0x0;
	s19 =	sadd.s32 s1, s2  }
.LBB2_11:
0x18: {  	_ =	swait.ge [sflag:s29], $0x1000  }
0x19: {  	[sflag:s29] =	ssyncset.done $0x0  }
0x1a: {  	[sflag:s29] =	ssyncadd.s32 $0xFFFFF000  }
0x1b: {  	_ =	swait.ge [sflag:s30], $0x1000  }
0x1c: {  	[sflag:s30] =	ssyncset.done $0x0  }
0x1d: {  	s1 =	simm.s32 $0x80;
	s2 =	simm.s32 $0x400;
	[sflag:s30] =	ssyncadd.s32 $0xFFFFF000  }
0x1e: {  	[hbm4b:s19+s1] =	stream.strided.scatter [tilespmem:s26], [sflag:$0x5], $0x2800, s2, s1, $0x38;
	[tilespmem:$0x1FE00] =	vst v63  }
0x1f: {  	s22 =	stileid.u32;
	_ =	swait.ge [sflag:s23], $0x2800  }
0x20: {  	s31 =	sshrl.u32 s9, $0x3;
	s0 =	sadd.s32 $0x1, s0;
	[sflag:s23] =	ssyncset.done $0x0  }
0x21: {  	p0 =	sne.s32 s0, s21;
	s1 =	sshll.u32 s22, $0x6;
	[sflag:s23] =	ssyncadd.s32 $0xFFFFD800  }
.Ltmp1:
0x22: {  	s1 =	sor.u32 $0x1C05, s1;
	[bflag:$0x0] =	sbarrier.arrive $0xFFFF;
	(pc) =	sbr.rel @!p0 .LBB2_12-.Ltmp1, $4  }
0x23: {  	[hbm:s20], [sflag:s1] =	dma.local [spmem:s31], $0x2800  }
0x24: {  	_ =	swait.ge [sflag:s23], $0x2800  }
0x25: {  	[sflag:s23] =	ssyncset.done $0x0  }
0x26: {  	[sflag:s23] =	ssyncadd.s32 $0xFFFFD800  }
.LBB2_1:
0x27: {  	s1 =	rddreg [dreg:$0x1];
	s2 =	simm.s32 $0x0;
	s4 =	simm.s32 $0x9D80  }
0x28: {  	[tilespmem:s4], [sflag:$0x5] =	stream.linear.gather [hbm4b:s1+s2], $0x80, $0x38;
	[tilespmem:$0x1FE00] =	vst v63  }
0x29: {  	_ =	swait.ge [sflag:s23], $0x80  }
0x2a: {  	[sflag:s23] =	ssyncset.done $0x0  }
0x2b: {  	s1 =	simm.s32 $0x0;
	[sflag:s23] =	ssyncadd.s32 $0xFFFFFF80  }
.LBB2_2:
0x2c: {  	p0 =	sne.s32 s1, $0x9FC0  }
.Ltmp2:
0x2d: {  	_ = 	snop;
	(pc) =	sbr.rel @p0 .LBB2_2-.Ltmp2, $3  }
0x2e: {  	_ =	sdelay $0x1  }
0x2f: {  	s2 =	sshra.s32 s1, $0x2  }
0x30: {  	s1 =	sadd.s32 $0x40, s1;
	[tilespmem:s2+$0x7580] =	vst v0  }
0x31: {  	s1 =	simm.s32 $0x0;
	s2 =	simm.s32 $0x200  }
.LBB2_4:
0x32: {  	p0 =	sne.s32 s2, $0x7E00;
	[tilespmem:s1+$0x9E70] =	vst v0  }
0x33: {  	[tilespmem:s1+$0x9E00] =	vst v0  }
0x34: {  	[tilespmem:s1+$0x9E10] =	vst v0  }
.Ltmp3:
0x35: {  	[tilespmem:s1+$0x9E20] =	vst v0;
	(pc) =	sbr.rel @p0 .LBB2_4-.Ltmp3, $4  }
0x36: {  	[tilespmem:s1+$0x9E30] =	vst v0  }
0x37: {  	[tilespmem:s1+$0x9E40] =	vst v0  }
0x38: {  	[tilespmem:s1+$0x9E50] =	vst v0  }
0x39: {  	[tilespmem:s1+$0x9E60] =	vst v0;
	s1 =	sshra.s32 s2, $0x2;
	s2 =	sadd.s32 $0x200, s2  }
0x3a: {  	[tilespmem:s1+$0x9E70] =	vst v0  }
0x3b: {  	[tilespmem:s1+$0x9E00] =	vst v0  }
0x3c: {  	[tilespmem:s1+$0x9E10] =	vst v0  }
0x3d: {  	[tilespmem:s1+$0x9E20] =	vst v0  }
0x3e: {  	[tilespmem:s1+$0x9E30] =	vst v0  }
0x3f: {  	[tilespmem:s1+$0x9E40] =	vst v0  }
0x40: {  	[tilespmem:s1+$0x9E50] =	vst v0  }
0x41: {  	[tilespmem:s1+$0x9E60] =	vst v0  }
0x42: {  	[spmem:s9] =	stream.linear.scatter [tilespmem:s24], [sflag:$0x5], $0x2000, $0x38;
	[tilespmem:$0x1FE00] =	vst v63  }
0x43: {  	_ =	swait.ge [sflag:s23], $0x2000  }
0x44: {  	[sflag:s23] =	ssyncset.done $0x0  }
0x45: {  	s12 =	rddreg [dreg:$0x5];
	[sflag:s23] =	ssyncadd.s32 $0xFFFFE000  }
0x46: {  	[spmem:s12] =	stream.linear.scatter [tilespmem:s24], [sflag:$0x5], $0x2000, $0x38;
	[tilespmem:$0x1FE00] =	vst v63  }
0x47: {  	_ =	swait.ge [sflag:s23], $0x2000  }
0x48: {  	[sflag:s23] =	ssyncset.done $0x0  }
0x49: {  	s13 =	rddreg [dreg:$0x6];
	[sflag:s23] =	ssyncadd.s32 $0xFFFFE000  }
0x4a: {  	[spmem:s13] =	stream.linear.scatter [tilespmem:s24], [sflag:$0x5], $0x2000, $0x38;
	[tilespmem:$0x1FE00] =	vst v63  }
0x4b: {  	_ =	swait.ge [sflag:s23], $0x2000  }
0x4c: {  	[sflag:s23] =	ssyncset.done $0x0  }
0x4d: {  	s14 =	rddreg [dreg:$0x7];
	[sflag:s23] =	ssyncadd.s32 $0xFFFFE000  }
0x4e: {  	[spmem:s14] =	stream.linear.scatter [tilespmem:s24], [sflag:$0x5], $0x2000, $0x38;
	[tilespmem:$0x1FE00] =	vst v63  }
0x4f: {  	_ =	swait.ge [sflag:s23], $0x2000  }
0x50: {  	[sflag:s23] =	ssyncset.done $0x0  }
0x51: {  	s22 =	rddreg [dreg:$0x8];
	[sflag:s23] =	ssyncadd.s32 $0xFFFFE000  }
0x52: {  	[spmem:s22] =	stream.linear.scatter [tilespmem:s24], [sflag:$0x5], $0x2000, $0x38;
	[tilespmem:$0x1FE00] =	vst v63  }
0x53: {  	_ =	swait.ge [sflag:s23], $0x2000  }
0x54: {  	[sflag:s23] =	ssyncset.done $0x0  }
0x55: {  	s31 =	rddreg [dreg:$0x9];
	[sflag:s23] =	ssyncadd.s32 $0xFFFFE000  }
0x56: {  	[spmem:s31] =	stream.linear.scatter [tilespmem:s24], [sflag:$0x5], $0x2000, $0x38;
	[tilespmem:$0x1FE00] =	vst v63  }
0x57: {  	_ =	swait.ge [sflag:s23], $0x2000  }
0x58: {  	[sflag:s23] =	ssyncset.done $0x0  }
0x59: {  	[sflag:s23] =	ssyncadd.s32 $0xFFFFE000  }
0x5a: {  	[spmem:s15] =	stream.linear.scatter [tilespmem:s24], [sflag:$0x5], $0x2000, $0x38;
	[tilespmem:$0x1FE00] =	vst v63  }
0x5b: {  	_ =	swait.ge [sflag:s23], $0x2000  }
0x5c: {  	[sflag:s23] =	ssyncset.done $0x0  }
0x5d: {  	[sflag:s23] =	ssyncadd.s32 $0xFFFFE000  }
0x5e: {  	[spmem:s16] =	stream.linear.scatter [tilespmem:s24], [sflag:$0x5], $0x2000, $0x38;
	[tilespmem:$0x1FE00] =	vst v63  }
0x5f: {  	_ =	swait.ge [sflag:s23], $0x2000  }
0x60: {  	[sflag:s23] =	ssyncset.done $0x0  }
0x61: {  	[sflag:s23] =	ssyncadd.s32 $0xFFFFE000  }
0x62: {  	[spmem:s17] =	stream.linear.scatter [tilespmem:s24], [sflag:$0x5], $0x2000, $0x38;
	[tilespmem:$0x1FE00] =	vst v63  }
0x63: {  	_ =	swait.ge [sflag:s23], $0x2000  }
0x64: {  	[sflag:s23] =	ssyncset.done $0x0  }
0x65: {  	[sflag:s23] =	ssyncadd.s32 $0xFFFFE000  }
0x66: {  	[spmem:s18] =	stream.linear.scatter [tilespmem:s24], [sflag:$0x5], $0x2000, $0x38;
	[tilespmem:$0x1FE00] =	vst v63  }
0x67: {  	_ =	swait.ge [sflag:s23], $0x2000  }
0x68: {  	[sflag:s23] =	ssyncset.done $0x0  }
0x69: {  	[sflag:s23] =	ssyncadd.s32 $0xFFFFE000  }
0x6a: {  	[bflag:$0x0] =	sbarrier.arrive $0xFFFF  }
0x6b: {  	v1 =	vld [tilespmem:$0x9D80]  }
0x6c: {  	v2 =	vld [tilespmem:$0x9D90]  }
0x6d: {  	v3 =	vld [tilespmem:$0x9DA0]  }
.Ltmp4:
0x6e: {  	v4 =	vld [tilespmem:$0x9DB0];
	(pc) =	sbr.rel .LBB2_6-.Ltmp4, $4  }
0x6f: {  	v5 =	vld [tilespmem:$0x9DC0]  }
0x70: {  	v6 =	vld [tilespmem:$0x9DD0]  }
0x71: {  	v7 =	vld [tilespmem:$0x9DE0]  }
0x72: {  	s4 =	simm.s32 $0x0;
	p0 =	por $0x1, $0x1;
	v8 =	vld [tilespmem:$0x9DF0]  }
.LBB2_10:
0x73: {  	s4 =	sadd.s32 $0x1, s4  }
0x74: {  	p1 =	sne.s32 s4, $0x191  }
.Ltmp5:
0x75: {  	_ = 	snop;
	(pc) =	sbr.rel @!p1 .LBB2_11-.Ltmp5, $2  }
0x76: {  	_ =	sdelay $0x2  }
0x77: {  	p0 =	por !p0, !p0  }
.LBB2_6:
0x78: {  	s1 =	sadd.s32 $0xFFFFFFFF, s4  }
0x79: {  	s2 =	smul.u32 $0x6667, s1;
	_ =	sdelay $0x1  }
0x7a: {  	s10 =	sand.u32 $0x1, s4;
	s11 =	sshrl.u32 s2, $0x1F;
	s2 =	sshra.s32 s2, $0x14  }
0x7b: {  	s22 =	sxor.u32 $0x1, s10;
	p1 =	sge.u32 s1, s7;
	s2 =	sadd.s32 s11, s2  }
0x7c: {  	s11 =	sadd.s32 @!p1 $0x1, s22;
	s2 =	smul.u32 $0x28, s2  }
0x7d: {  	p2 =	slt.u32 @!p1 s4, $0x3;
	_ =	swait.ge @!p1 [sflag:s11], $0x2000  }
0x7e: {  	p2 =	por p2, p1;
	[sflag:s11] =	ssyncset.done @!p1 $0x0;
	s1 =	ssub.s32 s1, s2  }
0x7f: {  	[sflag:s11] =	ssyncadd.s32 @!p1 $0xFFFFE000;
	s2 =	sadd.s32 @!p2 $0x3, s22;
	s1 =	sshll.u32 s1, $0x10  }
0x80: {  	_ =	swait.ge @!p2 [sflag:s2], $0x1000;
	s1 =	sshra.s32 s1, $0x10  }
0x81: {  	[sflag:s2] =	ssyncset.done @!p2 $0x0;
	s1 =	sshll.u32 @!p1 s1, $0x9  }
0x82: {  	[sflag:s2] =	ssyncadd.s32 @!p2 $0xFFFFF000;
	s1 =	sshra.s32 @!p1 s1, $0x2  }
0x83: {  	v9 =	vld @!p1 [tilespmem:s1+$0x20]  }
0x84: {  	s31 =	smul.u32 $0xCCCD, s4;
	_ =	sdelay $0x1  }
0x85: {  	s2 =	sshrl.u32 s31, $0x15  }
0x86: {  	s2 =	smul.u32 $0x28, s2  }
0x87: {  	s11 =	sshll.u32 @!p1 s22, $0x7;
	v9 =	vadd.s32 @!p1 $0xFFFFD800, v9  }
0x88: {  	p2 =	sge.u32 s4, s7;
	s2 =	ssub.s32 s4, s2;
	[tilespmem:s11+$0x1400] =	vst @!p1 v9  }
0x89: {  	v9 =	vld @!p1 [tilespmem:s1+$0x30];
	s1 =	sand.u32 @!p2 $0xFFFF, s2  }
0x8a: {  	p3 =	sne.s32 @!p2 s1, $0x0  }
0x8b: {  	p3 =	por p3, p2  }
0x8c: {  	s1 =	sadd.s32 @!p3 s8, s4;
	s12 =	sshll.u32 @!p3 s4, $0x4  }
0x8d: {  	s1 =	sshll.u32 @!p3 s1, $0x4;
	s12 =	sand.u32 @!p3 $0x70, s12  }
0x8e: {  	v9 =	vadd.s32 @!p1 $0xFFFFD800, v9;
	s1 =	sand.u32 @!p3 $0xFFFFF80, s1;
	s12 =	sadd.s32 @!p3 s6, s12  }
0x8f: {  	[tilespmem:s11+$0x1410] =	vst @!p1 v9;
	s1 =	sadd.s32 @!p3 s1, s12;
	s11 =	simm.s32 @!p3 $0x0  }
0x90: {  	[tilespmem:s11], [sflag:$0x5] =	stream.linear.gather @!p3 [hbm4b:s1+s11], $0x1400, $0x38;
	[tilespmem:$0x1FE00] =	vst v63  }
.Ltmp6:
0x91: {  	s2 =	sshll.u32 @!p2 s2, $0x7;
	s1 =	simm.s32 @!p3 $0x5;
	(pc) =	sbr.rel @p1 .LBB2_10-.Ltmp6, $4  }
0x92: {  	s2 =	sand.u32 @!p2 $0x3F80, s2;
	_ =	swait.ge @!p3 [sflag:s1], $0x1400  }
0x93: {  	s11 =	sshll.u32 @!p2 s10, $0xD;
	s10 =	sadd.s32 @!p2 $0x1, s10;
	[sflag:s1] =	ssyncset.done @!p3 $0x0  }
0x94: {  	[sflag:s1] =	ssyncadd.s32 @!p3 $0xFFFFEC00;
	s1 =	sor.u32 @!p2 $0x1500, s11;
	s11 =	simm.s32 @!p2 $0x40  }
0x95: {  	[tilespmem:s1], [sflag:s10] =	stream.indirect.gather @!p2 [hbm4b:s5+s11], $0x80, s2, s11, $0xb8;
	[tilespmem:$0x1FE00] =	vst v63  }
0x96: {  	s1 =	simm.s32 $0x1  }
0x97: {  	s1 =	simm.s32 @!p0 $0x0  }
0x98: {  	s2 =	sshll.u32 s1, $0xD  }
0x99: {  	s2 =	sadd.s32 $0x2500, s2  }
0x9a: {  	v14 =	vld [tilespmem:s2+$0xFFFFF080]  }
0x9b: {  	v9 =	vld [tilespmem:s2+$0x80]  }
0x9c: {  	v19 =	vld [tilespmem:s2+$0xFFFFF090]  }
0x9d: {  	v10 =	vld [tilespmem:s2+$0x90]  }
0x9e: {  	v13 =	vld [tilespmem:s2+$0xFFFFF0A0]  }
0x9f: {  	v11 =	vld [tilespmem:s2+$0xA0]  }
0xa0: {  	v12 =	vld [tilespmem:s2+$0xFFFFF0B0]  }
0xa1: {  	v16 =	vld [tilespmem:s2+$0xB0]  }
0xa2: {  	v18 =	vld [tilespmem:s2+$0xFFFFF0C0];
	v9 =	vadd.f32 v9, v14  }
0xa3: {  	v20 =	vld [tilespmem:s2+$0xC0]  }
0xa4: {  	v22 =	vld [tilespmem:s2+$0xD0];
	v10 =	vadd.f32 v10, v19;
	v15 =	vmul.f32 $2.000000030e-01, v9  }
0xa5: {  	v17 =	vld [tilespmem:s2+$0xFFFFF0E0]  }
0xa6: {  	v28 =	vld [tilespmem:s2+$0xFFFFF000];
	v11 =	vadd.f32 v11, v13;
	v21 =	vmul.f32 $2.000000030e-01, v10;
	v9 =	vmax.f32 v9, v15  }
0xa7: {  	v24 =	vld [tilespmem:s2+$0xE0];
	v9 =	vmul.f32 v9, v1  }
0xa8: {  	v25 =	vld [tilespmem:s2+$0xF0];
	v10 =	vmax.f32 v10, v21;
	v21 =	vmul.f32 $2.000000030e-01, v11  }
0xa9: {  	v23 =	vadd.f32 v16, v12;
	v16 =	vld [tilespmem:s2+$0xFFFFF0F0];
	v10 =	vmul.f32 v10, v2;
	v9 =	vadd.f32 $0.0e+00, v9  }
0xaa: {  	v15 =	vld [tilespmem:s2+$0xFFFFF0D0];
	v11 =	vmax.f32 v11, v21  }
0xab: {  	v9 =	vadd.f32 v10, v9;
	v10 =	vmul.f32 v11, v3;
	v11 =	vld [tilespmem:s2+$0x0];
	[tilespmem:$0x1FFC0] =	vst v28  }
0xac: {  	v26 =	vld [tilespmem:s2+$0xFFFFF010];
	_ =	sdelay $0x4  }
0xad: {  	v20 =	vadd.f32 v20, v18;
	v21 =	vmul.f32 $2.000000030e-01, v23;
	[tilespmem:$0x1FFD0] =	vst v26  }
0xae: {  	v27 =	vld [tilespmem:s2+$0xFFFFF020]  }
0xaf: {  	v21 =	vmax.f32 v23, v21;
	v23 =	vmul.f32 $2.000000030e-01, v20;
	v22 =	vadd.f32 v22, v15  }
0xb0: {  	v9 =	vadd.f32 v10, v9;
	v10 =	vmul.f32 v21, v4  }
0xb1: {  	v20 =	vmax.f32 v20, v23;
	v21 =	vadd.f32 v24, v17;
	v23 =	vmul.f32 $2.000000030e-01, v22  }
0xb2: {  	v9 =	vadd.f32 v10, v9;
	v10 =	vmul.f32 v20, v5  }
0xb3: {  	v20 =	vadd.f32 v25, v16;
	v22 =	vmax.f32 v22, v23;
	v23 =	vmul.f32 $2.000000030e-01, v21;
	v24 =	vld [tilespmem:s2+$0x10];
	[tilespmem:$0x1FFE0] =	vst v27  }
0xb4: {  	v9 =	vadd.f32 v10, v9;
	v10 =	vmul.f32 v22, v6;
	v25 =	vld [tilespmem:s2+$0x20]  }
0xb5: {  	v21 =	vmax.f32 v21, v23;
	v22 =	vmul.f32 $2.000000030e-01, v20;
	v41 =	vld [tilespmem:s2+$0xFFFFF030]  }
0xb6: {  	v9 =	vadd.f32 v10, v9;
	v10 =	vmul.f32 v21, v7;
	v23 =	vld [tilespmem:s2+$0x30]  }
0xb7: {  	v20 =	vmax.f32 v20, v22;
	v42 =	vld [tilespmem:s2+$0xFFFFF040]  }
0xb8: {  	v11 =	vadd.f32 v11, v28;
	v9 =	vadd.f32 v10, v9;
	v10 =	vmul.f32 v20, v8;
	v28 =	vld [tilespmem:s2+$0xFFFFF070]  }
0xb9: {  	v21 =	vld [tilespmem:s2+$0x40]  }
0xba: {  	v9 =	vadd.f32 v10, v9;
	v10 =	vmul.f32 $2.000000030e-01, v11;
	v22 =	vadd.f32 v24, v26;
	v43 =	vld [tilespmem:s2+$0xFFFFF050]  }
0xbb: {  	v44 =	vld [tilespmem:s2+$0xFFFFF060]  }
0xbc: {  	v10 =	vmax.f32 v11, v10;
	v11 =	vmul.f32 $2.000000030e-01, v22;
	v24 =	vadd.f32 v25, v27;
	v25 =	vld [tilespmem:s2+$0x60]  }
0xbd: {  	v20 =	vld [tilespmem:s2+$0x50];
	(xrf2) =	vadd.scan.msk.f32 $0xffff, v9;
	[tilespmem:$0x1FFF0] =	vst v28  }
0xbe: {  	v10 =	vmul.f32 v10, v1;
	v11 =	vmax.f32 v22, v11;
	v26 =	vld [tilespmem:s2+$0x70]  }
0xbf: {  	v9 =	vadd.f32 v23, v41;
	v21 =	vadd.f32 v21, v42;
	v23 =	vmul.f32 $2.000000030e-01, v24  }
0xc0: {  	v11 =	vmul.f32 v11, v2;
	v10 =	vadd.f32 $0.0e+00, v10;
	s2 =	sadd.s32 $0x100, s2  }
0xc1: {  	v39 =	vld [tilespmem:s2+$0xFFFFF080];
	v22 =	vmax.f32 v24, v23;
	v23 =	vmul.f32 $2.000000030e-01, v21;
	v25 =	vadd.f32 v25, v44  }
0xc2: {  	v20 =	vadd.f32 v20, v43;
	v10 =	vadd.f32 v11, v10;
	v27 =	vmul.f32 $2.000000030e-01, v9;
	v24 =	vld [tilespmem:s2+$0x80]  }
0xc3: {  	v29 =	vld [tilespmem:s2+$0xFFFFF090];
	v11 =	vmax.f32 v21, v23;
	v23 =	vadd.f32 v26, v28;
	v26 =	vmul.f32 $2.000000030e-01, v25  }
0xc4: {  	v9 =	vmax.f32 v9, v27;
	v27 =	vmul.f32 $2.000000030e-01, v20;
	v22 =	vmul.f32 v22, v3;
	v21 =	vld [tilespmem:s2+$0x90]  }
0xc5: {  	v38 =	vld [tilespmem:s2+$0xFFFFF0A0];
	v9 =	vmul.f32 v9, v4  }
0xc6: {  	v20 =	vmax.f32 v20, v27;
	v10 =	vadd.f32 v22, v10;
	v11 =	vmul.f32 v11, v5;
	v22 =	vld [tilespmem:s2+$0xA0]  }
0xc7: {  	v40 =	vld [tilespmem:s2+$0xFFFFF0F0];
	v27 =	vmul.f32 $2.000000030e-01, v23;
	v25 =	vmax.f32 v25, v26;
	v24 =	vadd.f32 v24, v39;
	v26, _, _ =	vpop (xrf2)  }
0xc8: {  	v36 =	vld [tilespmem:s2+$0xFFFFF0B0];
	v9 =	vadd.f32 v9, v10;
	v10 =	vmul.f32 v25, v7;
	v25 =	vmul.f32 $1.442695020e+00, v26  }
0xc9: {  	v23 =	vmax.f32 v23, v27;
	v27 =	vmul.f32 $2.000000030e-01, v24;
	v21 =	vadd.f32 v21, v29;
	v26 =	vld [tilespmem:s2+$0xB0]  }
0xca: {  	v35 =	vld [tilespmem:s2+$0xFFFFF0C0];
	v9 =	vadd.f32 v11, v9;
	v11 =	vmul.f32 v23, v8;
	v23 =	vbroadcast v25, $0xF  }
0xcb: {  	v20 =	vmul.f32 v20, v6;
	v22 =	vadd.f32 v22, v38;
	v25 =	vld [tilespmem:s2+$0xC0]  }
0xcc: {  	v46 =	vld [tilespmem:s2+$0xFFFFF0D0];
	v24 =	vmax.f32 v24, v27;
	v27 =	vmul.f32 $2.000000030e-01, v21;
	(erf) = vpow2.f32 v23  }
0xcd: {  	v9 =	vadd.f32 v20, v9;
	v20 =	vmul.f32 v24, v1;
	v23 =	vld [tilespmem:s2+$0xD0]  }
0xce: {  	v45 =	vld [tilespmem:s2+$0xFFFFF0E0];
	v24 =	vmul.f32 $2.000000030e-01, v22;
	v21 =	vmax.f32 v21, v27;
	v26 =	vadd.f32 v26, v36  }
0xcf: {  	v9 =	vadd.f32 v10, v9;
	v27 =	vld [tilespmem:s2+$0xE0];
	v10 =	vadd.f32 $0.0e+00, v20;
	v20 =	vmul.f32 v21, v2  }
0xd0: {  	v21 =	vld [tilespmem:s2+$0xF0];
	v22 =	vmax.f32 v22, v24;
	v24 =	vmul.f32 $2.000000030e-01, v26;
	v25 =	vadd.f32 v25, v35  }
0xd1: {  	v30 =	vld [tilespmem:s2+$0x0];
	v11 =	vadd.f32 v11, v9;
	v22 =	vmul.f32 v22, v3;
	v20 =	vadd.f32 v20, v10  }
0xd2: {  	v9 =	vld [tilespmem:s2+$0xFFFFF000];
	v24 =	vmax.f32 v26, v24;
	v26 =	vmul.f32 $2.000000030e-01, v25;
	v23 =	vadd.f32 v23, v46  }
0xd3: {  	v10 =	vld [tilespmem:s2+$0xFFFFF010];
	v20 =	vadd.f32 v22, v20;
	v22 =	vmul.f32 v24, v4  }
0xd4: {  	(xrf2) =	vadd.scan.msk.f32 $0xffff, v11;
	v11 =	vld [tilespmem:s2+$0xFFFFF020];
	v27 =	vadd.f32 v27, v45;
	v25 =	vmax.f32 v25, v26;
	v26 =	vmul.f32 $2.000000030e-01, v23  }
0xd5: {  	v21 =	vadd.f32 v21, v40;
	v24 =	vld [tilespmem:s2+$0x10];
	v20 =	vadd.f32 v22, v20;
	v22 =	vmul.f32 v25, v5;
	v47 =	vpop (erf)  }
0xd6: {  	v25 =	vld [tilespmem:s2+$0x20];
	v23 =	vmax.f32 v23, v26;
	v26 =	vmul.f32 $2.000000030e-01, v27;
	v55 =	vmul.f32 v47, v14  }
0xd7: {  	v14 =	vld [tilespmem:s2+$0xFFFFF030];
	v20 =	vadd.f32 v22, v20;
	v22 =	vmul.f32 v23, v6;
	v54 =	vmul.f32 v47, v19  }
0xd8: {  	v19 =	vld [tilespmem:s2+$0x30];
	v53 =	vmul.f32 v47, v13;
	v52 =	vmul.f32 v47, v12  }
0xd9: {  	v13 =	vld [tilespmem:s2+$0xFFFFF040];
	v50 =	vmul.f32 v47, v18;
	v23 =	vmax.f32 v27, v26;
	v26 =	vmul.f32 $2.000000030e-01, v21  }
0xda: {  	v12 =	vld [tilespmem:s2+$0xFFFFF050];
	v51 =	vmul.f32 v47, v15;
	v20 =	vadd.f32 v22, v20;
	v22 =	vmul.f32 v23, v7  }
0xdb: {  	v49 =	vmul.f32 v47, v17;
	v23 =	vld [tilespmem:s2+$0x40];
	v18 =	vmax.f32 v21, v26;
	v21 =	vadd.f32 v30, v9  }
0xdc: {  	v25 =	vadd.f32 v25, v11;
	v20 =	vadd.f32 v22, v20;
	v18 =	vmul.f32 v18, v8;
	v22 =	vld [tilespmem:s2+$0x50]  }
0xdd: {  	v15 =	vld [tilespmem:s2+$0xFFFFF060];
	v48 =	vmul.f32 v47, v16;
	v17 =	vadd.f32 v24, v10;
	v26 =	vmul.f32 $2.000000030e-01, v21  }
0xde: {  	v16 =	vld [tilespmem:s2+$0xFFFFF070];
	v24, _, _ =	vpop (xrf2);
	v19 =	vadd.f32 v19, v14;
	v27 =	vmul.f32 $2.000000030e-01, v25;
	v18 =	vadd.f32 v18, v20  }
0xdf: {  	v20 =	vmul.f32 $1.442695020e+00, v24;
	v24 =	vld [tilespmem:s2+$0x60];
	v21 =	vmax.f32 v21, v26;
	v26 =	vmul.f32 $2.000000030e-01, v17  }
0xe0: {  	s10 =	sadd.s32 $0x100, s2;
	v30 =	vld [tilespmem:s2+$0x70];
	v23 =	vadd.f32 v23, v13;
	v25 =	vmax.f32 v25, v27;
	(xrf2) =	vadd.scan.msk.f32 $0xffff, v18;
	v18 =	vmul.f32 v21, v1  }
0xe1: {  	v62 =	vld [tilespmem:s10+$0x90];
	v21 =	vmul.f32 $2.000000030e-01, v19;
	v17 =	vmax.f32 v17, v26;
	v26 =	vadd.f32 v22, v12  }
0xe2: {  	v37 =	vld [tilespmem:s10+$0xB0];
	v32 =	vmul.f32 $2.000000030e-01, v23;
	v18 =	vadd.f32 $0.0e+00, v18;
	v27 =	vmul.f32 v17, v2  }
0xe3: {  	v25 =	vmul.f32 v25, v3;
	v22 =	vld [tilespmem:s10+$0xFFFFF080];
	v19 =	vmax.f32 v19, v21;
	v34 =	vmul.f32 $2.000000030e-01, v26  }
0xe4: {  	v21 =	vadd.f32 v24, v15;
	v24 =	vmax.f32 v23, v32;
	v23 =	vld [tilespmem:s10+$0xFFFFF090];
	v18 =	vadd.f32 v27, v18  }
0xe5: {  	v30 =	vadd.f32 v30, v16;
	v20 =	vbroadcast v20, $0xF;
	v19 =	vmul.f32 v19, v4;
	v27 =	vld [tilespmem:s10+$0x80]  }
0xe6: {  	v60 =	vld [tilespmem:s10+$0xC0];
	v26 =	vmax.f32 v26, v34;
	v18 =	vadd.f32 v25, v18;
	v25 =	vmul.f32 $2.000000030e-01, v21  }
0xe7: {  	v63 =	vmul.f32 v24, v5;
	v24 =	vld [tilespmem:s10+$0xFFFFF0A0];
	v57 =	vmul.f32 v26, v6  }
0xe8: {  	v26 =	vmul.f32 $2.000000030e-01, v30;
	v18 =	vadd.f32 v19, v18;
	v19 =	vmax.f32 v21, v25;
	v21 =	vld [tilespmem:s10+$0xA0]  }
0xe9: {  	(erf) = vpow2.f32 v20;
	v25 =	vld [tilespmem:s10+$0xFFFFF0B0]  }
0xea: {  	v34 =	vld [tilespmem:s10+$0xFFFFF0C0];
	v26 =	vmax.f32 v30, v26;
	v32 =	vadd.f32 v62, v23;
	v27 =	vadd.f32 v27, v22;
	v58, _, _ =	vpop (xrf2)  }
0xeb: {  	s11 =	simm.s32 $0x0;
	v19 =	vmul.f32 v19, v7;
	v18 =	vadd.f32 v63, v18;
	v30 =	vmul.f32 $1.442695020e+00, v58  }
0xec: {  	v17 =	vld [tilespmem:s10+$0xFFFFF0F0];
	v20 =	vmov s11;
	v59 =	vmul.f32 v26, v8;
	v26 =	vmul.f32 $2.000000030e-01, v27  }
0xed: {  	v61 =	vmul.f32 $2.000000030e-01, v32;
	v18 =	vadd.f32 v57, v18;
	v57 =	vld [tilespmem:s10+$0xD0];
	v30 =	vbroadcast v30, $0xF  }
0xee: {  	v27 =	vmax.f32 v27, v26;
	v21 =	vadd.f32 v21, v24;
	v26 =	vld [tilespmem:s10+$0xFFFFF0D0];
	v58 =	vadd.f32 v37, v25  }
0xef: {  	v62 =	vld [tilespmem:s10+$0xE0];
	v60 =	vadd.f32 v60, v34;
	(erf) = vpow2.f32 v30;
	v30 =	vmul.f32 v27, v1  }
0xf0: {  	v32 =	vmax.f32 v32, v61;
	v27 =	vld [tilespmem:s10+$0xFFFFF0E0];
	v33 =	vmul.f32 $2.000000030e-01, v21;
	v37 =	vmul.f32 $2.000000030e-01, v58  }
0xf1: {  	v63 =	vld [tilespmem:s10+$0xF0];
	v18 =	vadd.f32 v19, v18;
	v19 =	vadd.f32 $0.0e+00, v30;
	v30 =	vmul.f32 v32, v2  }
0xf2: {  	v21 =	vmax.f32 v21, v33;
	v32 =	vmax.f32 v58, v37;
	v37 =	vmul.f32 $2.000000030e-01, v60  }
0xf3: {  	v21 =	vmul.f32 v21, v3;
	v57 =	vadd.f32 v57, v26;
	v30 =	vadd.f32 v30, v19  }
0xf4: {  	v20 =	vand.u32 $0xFFFFFFFE, v20;
	v61 =	vld [tilespmem:s10+$0x0];
	v32 =	vmul.f32 v32, v4;
	v58 =	vmax.f32 v60, v37  }
0xf5: {  	s1 =	sshll.u32 s1, $0xC;
	v19 =	vld [tilespmem:s10+$0xFFFFF000];
	v62 =	vadd.f32 v62, v27;
	v37 =	vmul.f32 $2.000000030e-01, v57;
	v21 =	vadd.f32 v21, v30  }
0xf6: {  	v31 =	vld [tilespmem:s10+$0x20];
	s2 =	sadd.s32 $0x5580, s1;
	v63 =	vadd.f32 v63, v17;
	v59 =	vadd.f32 v59, v18;
	v58 =	vmul.f32 v58, v5  }
0xf7: {  	[tilespmem:s2+$0x0] =	vst v55;
	v18 =	vld [tilespmem:s10+$0xFFFFF010];
	v57 =	vmax.f32 v57, v37;
	v60 =	vmul.f32 $2.000000030e-01, v62;
	v28 =	vadd.f32 v32, v21  }
0xf8: {  	[tilespmem:s2+$0x10] =	vst v54;
	v33 =	vld [tilespmem:s10+$0x10];
	v30 =	vbroadcast v20, $0x0;
	v57 =	vmul.f32 v57, v6  }
0xf9: {  	s14 =	simm.s32 $0x1;
	[tilespmem:s2+$0x20] =	vst v53;
	v20 =	vld [tilespmem:s10+$0xFFFFF020];
	v60 =	vmax.f32 v62, v60;
	v62 =	vmul.f32 $2.000000030e-01, v63;
	v28 =	vadd.f32 v58, v28  }
0xfa: {  	v56 =	vmov s14;
	[tilespmem:s2+$0x30] =	vst v52;
	v32 =	vpop (erf);
	v61 =	vadd.f32 v61, v19  }
0xfb: {  	[tilespmem:s2+$0x40] =	vst v50;
	v37 =	vpop (erf);
	v60 =	vmul.f32 v60, v7;
	v54 =	vmax.f32 v63, v62;
	v57 =	vadd.f32 v57, v28  }
0xfc: {  	[tilespmem:s2+$0x50] =	vst v51;
	v39 =	vmul.f32 v37, v39;
	v54 =	vmul.f32 v54, v8  }
0xfd: {  	v51 =	vld [tilespmem:s10+$0x60];
	[tilespmem:s2+$0x60] =	vst v49;
	v53 =	vadd.f32 v60, v57;
	v57 =	vmul.f32 $2.000000030e-01, v61;
	v60 =	vadd.f32 v33, v18  }
0xfe: {  	(xrf2) =	vadd.scan.msk.f32 $0xffff, v59;
	v21 =	vld [tilespmem:s10+$0xFFFFF030];
	v55 =	vmul.f32 v37, v29;
	v50 =	vmul.f32 v37, v35;
	v63 =	vadd.f32 v31, v20  }
0xff: {  	[tilespmem:s2+$0x70] =	vst v48;
	v31 =	vld [tilespmem:s10+$0xFFFFF060];
	v35 =	vadd.f32 v54, v53;
	v53 =	vmax.f32 v61, v57;
	v54 =	vmul.f32 $2.000000030e-01, v60  }
0x100: {  	s1 =	sadd.s32 $0x100, s2;
	[tilespmem:v56+s25+$0x0] =	vst.idx.msk $0x1, v47;
	v58 =	vld [tilespmem:s10+$0x30];
	v38 =	vmul.f32 v37, v38;
	v53 =	vmul.f32 v53, v1  }
0x101: {  	v29 =	vld [tilespmem:s10+$0xFFFFF040];
	v36 =	vmul.f32 v37, v36;
	[tilespmem:s1+$0x0] =	vst v39;
	v61 =	vmul.f32 $2.000000030e-01, v63;
	v60 =	vmax.f32 v60, v54  }
0x102: {  	v62 =	vld [tilespmem:s10+$0x40];
	[tilespmem:s1+$0x10] =	vst v55;
	(xrf2) =	vadd.scan.msk.f32 $0xffff, v35;
	v53 =	vadd.f32 $0.0e+00, v53;
	v35 =	vmul.f32 v60, v2  }
0x103: {  	v52 =	vld [tilespmem:s10+$0x50];
	v46 =	vmul.f32 v37, v46;
	[tilespmem:s1+$0x20] =	vst v38;
	v57 =	vmax.f32 v63, v61  }
0x104: {  	v28 =	vld [tilespmem:s10+$0xFFFFF050];
	[tilespmem:s1+$0x30] =	vst v36;
	v51 =	vadd.f32 v51, v31;
	v57 =	vmul.f32 v57, v3;
	v60 =	vadd.f32 v35, v53  }
0x105: {  	v49 =	vmul.f32 v37, v45;
	[tilespmem:s1+$0x40] =	vst v50  }
0x106: {  	[tilespmem:s1+$0x50] =	vst v46;
	v33 =	vld [tilespmem:s10+$0xFFFFF070];
	v45 =	vadd.f32 v58, v21;
	v39 =	vadd.f32 v57, v60;
	v60 =	vmul.f32 $2.000000030e-01, v51  }
0x107: {  	s12 =	simm.s32 $0x3;
	[tilespmem:s1+$0x60] =	vst v49;
	v58 =	vadd.f32 v62, v29;
	v54 =	vld [tilespmem:s10+$0x70]  }
0x108: {  	v59 =	vmov s12;
	v63 =	vmul.f32 $2.000000030e-01, v45;
	v61, _, _ =	vpop (xrf2);
	v51 =	vmax.f32 v51, v60;
	v60 =	vld [tilespmem:$0x1FFC0]  }
0x109: {  	v52 =	vadd.f32 v52, v28;
	v56 =	vmul.f32 $1.442695020e+00, v61;
	v61 =	vmul.f32 $2.000000030e-01, v58  }
0x10a: {  	v40 =	vmul.f32 v37, v40  }
0x10b: {  	v62 =	vmul.f32 $2.000000030e-01, v52;
	v45 =	vmax.f32 v45, v63;
	v57 =	vmax.f32 v58, v61  }
0x10c: {  	v63 =	vmul.f32 v45, v4;
	v61 =	vmul.f32 v57, v5  }
0x10d: {  	s12 =	sadd.s32 $0x100, s10;
	v54 =	vadd.f32 v54, v33;
	[tilespmem:s1+$0x70] =	vst v40;
	v49 =	vmul.f32 v51, v7;
	v51 =	vmul.f32 v32, v60  }
0x10e: {  	v47 =	vld [tilespmem:s12+$0xF0];
	v38 =	vadd.f32 v63, v39;
	[tilespmem:v59+s25+$0x0] =	vst.idx.msk $0x1, v37  }
0x10f: {  	v58 =	vmax.f32 v52, v62;
	v62 =	vmul.f32 $2.000000030e-01, v54;
	v63 =	vbroadcast v56, $0xF;
	v56 =	vld [tilespmem:$0x1FFD0];
	[tilespmem:s2+$0xFFFFFF80] =	vst v51  }
0x110: {  	v38 =	vadd.f32 v61, v38;
	v61, _, _ =	vpop (xrf2);
	v59 =	vld [tilespmem:$0x1FFE0]  }
0x111: {  	v36 =	vld [tilespmem:s12+$0xFFFFF0E0];
	v39 =	vmax.f32 v54, v62;
	v62 =	vmul.f32 $1.442695020e+00, v61  }
0x112: {  	v41 =	vmul.f32 v32, v41;
	v46 =	vld [tilespmem:s12+$0xFFFFF090]  }
0x113: {  	v55 =	vld [tilespmem:s12+$0xB0];
	v61 =	vbroadcast v62, $0xF;
	v62 =	vmul.f32 v32, v42  }
0x114: {  	v45 =	vld [tilespmem:s12+$0xFFFFF080];
	v48 =	vmul.f32 v58, v6;
	v50 =	vmul.f32 v32, v56;
	[tilespmem:s2+$0xFFFFFFB0] =	vst v41  }
0x115: {  	v52 =	vld [tilespmem:s12+$0x80];
	[tilespmem:s2+$0xFFFFFFC0] =	vst v62;
	v60 =	vmul.f32 v32, v59  }
0x116: {  	s13 =	simm.s32 $0x2;
	v57 =	vld [tilespmem:s12+$0x90];
	v48 =	vadd.f32 v48, v38;
	[tilespmem:s2+$0xFFFFFF90] =	vst v50  }
0x117: {  	v40 =	vld [tilespmem:s12+$0xFFFFF0A0];
	(erf) = vpow2.f32 v63;
	v63 =	vmov s13;
	[tilespmem:s2+$0xFFFFFFA0] =	vst v60  }
0x118: {  	v48 =	vadd.f32 v49, v48;
	v49 =	vand.u32 $0xFFFFFFFE, v63;
	v63 =	vld [tilespmem:$0x1FFF0]  }
0x119: {  	v54 =	vld [tilespmem:s12+$0xA0]  }
0x11a: {  	v35 =	vld [tilespmem:s12+$0xFFFFF0F0];
	v56 =	vadd.f32 v52, v45  }
0x11b: {  	s14 =	sshll.u32 s22, $0xC;
	v39 =	vmul.f32 v39, v8;
	v38 =	vld [tilespmem:s12+$0xFFFFF0B0];
	v51 =	vmul.f32 v32, v43  }
0x11c: {  	s31 =	sadd.s32 $0x5500, s14;
	v37 =	vld [tilespmem:s12+$0xFFFFF0C0];
	v57 =	vadd.f32 v57, v46;
	(erf) = vpow2.f32 v61;
	v43 =	vmul.f32 $2.000000030e-01, v56  }
0x11d: {  	s11 =	simm.s32 $0x4;
	s10 =	simm.s32 $0x6;
	s13 =	simm.s32 $0x8;
	v42 =	vld [tilespmem:s12+$0xC0];
	v53 =	vadd.f32 v39, v48;
	v50 =	vmul.f32 v32, v44;
	v52 =	vmul.f32 v32, v63  }
.LBB2_8:
0x11e: {  	p1 =	slt.u32 s13, $0x1E;
	v41 =	vmax.f32 v56, v43;
	v43 =	vmul.f32 $2.000000030e-01, v57;
	v44 =	vadd.f32 v54, v40;
	v54 =	vld [tilespmem:s12+$0xFFFFF0D0];
	[tilespmem:s2+$0xFFFFFFD0] =	vst v51;
	v39 =	vmovc v13  }
0x11f: {  	v49 =	vbroadcast v49, $0x0;
	v13 =	vmovc v29;
	v41 =	vmul.f32 v41, v1;
	v48 =	vld [tilespmem:s12+$0xD0];
	(xrf2) =	vadd.scan.msk.f32 $0xffff, v53;
	[tilespmem:s2+$0xFFFFFFE0] =	vst v50  }
0x120: {  	s14 =	sadd.s32 $0x1, s11;
	v29 =	vmax.f32 v57, v43;
	v58 =	vmul.f32 $2.000000030e-01, v44;
	v51 =	vadd.f32 v55, v38;
	v53 =	vld [tilespmem:s12+$0xE0];
	v50 =	vpop (erf);
	[tilespmem:s2+$0xFFFFFFF0] =	vst v52;
	s2 =	smov.u32 s1  }
0x121: {  	v55 =	vmov s14;
	v52 =	vld [tilespmem:s12+$0x0];
	v60 =	vadd.f32 $0.0e+00, v41;
	v29 =	vmul.f32 v29, v2;
	[tilespmem:v30+s25+$0x0] =	vst.idx.msk $0x1, v32;
	v30 =	vmovc v49;
	v32 =	vmovc v50  }
0x122: {  	v50 =	vld [tilespmem:s12+$0xFFFFF000];
	v57 =	vmax.f32 v44, v58;
	v44 =	vmul.f32 $2.000000030e-01, v51;
	v56 =	vadd.f32 v42, v37;
	v42 =	vmovc v12;
	v12 =	vmovc v28  }
0x123: {  	v47 =	vadd.f32 v47, v35;
	v43 =	vmovc v15;
	v49 =	vld [tilespmem:s12+$0xFFFFF010];
	v28 =	vadd.f32 v29, v60;
	v29 =	vmul.f32 v57, v3  }
0x124: {  	v15 =	vmovc v31;
	v41 =	vmovc v16;
	v57 =	vld [tilespmem:s12+$0x10];
	v60 =	vmax.f32 v51, v44;
	v58 =	vmul.f32 $2.000000030e-01, v56;
	v59 =	vadd.f32 v48, v54  }
0x125: {  	v44 =	vld [tilespmem:s12+$0xFFFFF020];
	v28 =	vadd.f32 v29, v28;
	v29 =	vmul.f32 v60, v4;
	v31 =	vadd.f32 v53, v36;
	v51 =	vpop (erf)  }
0x126: {  	v16 =	vmovc v33;
	v53 =	vld [tilespmem:s12+$0x20];
	v56 =	vmax.f32 v56, v58;
	v58 =	vmul.f32 $2.000000030e-01, v59;
	v60 =	vmul.f32 v51, v22;
	v22 =	vmovc v45  }
0x127: {  	s1 =	sadd.s32 $0x100, s1;
	v45 =	vmul.f32 v51, v23;
	v23 =	vmovc v46;
	v48 =	vld [tilespmem:s12+$0xFFFFF030];
	v28 =	vadd.f32 v29, v28;
	v33 =	vmul.f32 v56, v5  }
0x128: {  	v46 =	vld [tilespmem:s12+$0x30];
	v61 =	vmax.f32 v59, v58;
	v58 =	vmul.f32 $2.000000030e-01, v31;
	[tilespmem:s1+$0x0] =	vst v60;
	v59 =	vmul.f32 v51, v24;
	v24 =	vmovc v40  }
0x129: {  	v29 =	vld [tilespmem:s12+$0xFFFFF040];
	v33 =	vadd.f32 v33, v28;
	v40 =	vmul.f32 v61, v6;
	[tilespmem:s1+$0x10] =	vst v45;
	v45 =	vmul.f32 v51, v25;
	v56, _, _ =	vpop (xrf2)  }
0x12a: {  	v34 =	vmul.f32 v51, v34;
	v25 =	vmovc v38;
	v60 =	vld [tilespmem:s12+$0x40];
	v31 =	vmax.f32 v31, v58;
	v58 =	vmul.f32 $2.000000030e-01, v47;
	[tilespmem:s1+$0x20] =	vst v59  }
0x12b: {  	v59 =	vmul.f32 v51, v26;
	v28 =	vld [tilespmem:s12+$0xFFFFF050];
	v33 =	vadd.f32 v40, v33;
	v38 =	vmul.f32 v31, v7;
	[tilespmem:s1+$0x30] =	vst v45  }
0x12c: {  	v27 =	vmul.f32 v51, v27;
	v40 =	vadd.f32 v52, v50;
	v45 =	vld [tilespmem:s12+$0x50];
	v47 =	vmax.f32 v47, v58;
	[tilespmem:s1+$0x40] =	vst v34  }
0x12d: {  	v58 =	vmul.f32 v51, v17;
	v31 =	vld [tilespmem:s12+$0xFFFFF060];
	v34 =	vadd.f32 v38, v33;
	v38 =	vmul.f32 v47, v8;
	[tilespmem:s1+$0x50] =	vst v59  }
0x12e: {  	v26 =	vmovc v54;
	v52 =	vadd.f32 v57, v49;
	v53 =	vadd.f32 v53, v44;
	v47 =	vmul.f32 $2.000000030e-01, v40;
	v57 =	vld [tilespmem:s12+$0x60];
	[tilespmem:s1+$0x60] =	vst v27  }
0x12f: {  	v17 =	vmovc v35;
	v46 =	vadd.f32 v46, v48;
	v33 =	vld [tilespmem:s12+$0xFFFFF070];
	v59 =	vadd.f32 v38, v34;
	v38 =	vmul.f32 $1.442695020e+00, v56;
	[tilespmem:s1+$0x70] =	vst v58  }
0x130: {  	v27 =	vmovc v36;
	v35 =	vmax.f32 v40, v47;
	v40 =	vmul.f32 $2.000000030e-01, v52;
	v47 =	vmul.f32 $2.000000030e-01, v53;
	v54 =	vld [tilespmem:s12+$0x70];
	[tilespmem:v55+s25+$0x0] =	vst.idx.msk $0x1, v51  }
0x131: {  	v36 =	vmul.f32 $2.000000030e-01, v46;
	v35 =	vmul.f32 v35, v1;
	v51 =	vadd.f32 v60, v29;
	(xrf2) =	vadd.scan.msk.f32 $0xffff, v59;
	v34 =	vmovc v37  }
0x132: {  	v37 =	vmax.f32 v52, v40;
	v40 =	vmax.f32 v53, v47;
	v45 =	vadd.f32 v45, v28  }
0x133: {  	v47 =	vadd.f32 $0.0e+00, v35;
	v37 =	vmul.f32 v37, v2;
	v40 =	vmul.f32 v40, v3  }
0x134: {  	s12 =	sadd.s32 $0x100, s12;
	v36 =	vmax.f32 v46, v36;
	v46 =	vmul.f32 $2.000000030e-01, v51;
	v52 =	vmul.f32 $2.000000030e-01, v45  }
0x135: {  	v53 =	vmul.f32 v36, v4;
	v55 =	vadd.f32 v57, v31;
	v37 =	vadd.f32 v37, v47;
	v35 =	vld [tilespmem:s12+$0xFFFFF0F0]  }
0x136: {  	v46 =	vmax.f32 v51, v46;
	v51 =	vmax.f32 v45, v52;
	v52 =	vadd.f32 v54, v33;
	v47 =	vld [tilespmem:s12+$0xF0]  }
0x137: {  	v37 =	vadd.f32 v40, v37;
	v40 =	vmul.f32 v46, v5;
	v46 =	vmul.f32 $2.000000030e-01, v55;
	v36 =	vld [tilespmem:s12+$0xFFFFF0E0]  }
0x138: {  	v51 =	vmul.f32 v51, v6;
	v54 =	vmul.f32 $2.000000030e-01, v52;
	v45 =	vld [tilespmem:s12+$0xFFFFF080]  }
0x139: {  	v38 =	vbroadcast v38, $0xF;
	v37 =	vadd.f32 v53, v37;
	v53 =	vmax.f32 v55, v46;
	v56 =	vld [tilespmem:s12+$0x80]  }
0x13a: {  	v53 =	vmul.f32 v53, v7;
	v52 =	vmax.f32 v52, v54;
	v54 =	vmul.f32 v32, v9;
	v9 =	vmovc v19;
	v46 =	vld [tilespmem:s12+$0xFFFFF090]  }
0x13b: {  	v37 =	vadd.f32 v40, v37;
	v52 =	vmul.f32 v52, v8;
	v57 =	vld [tilespmem:s12+$0x90];
	v19, _, _ =	vpop (xrf2);
	(erf) = vpow2.f32 v38  }
0x13c: {  	v58 =	vmov s11;
	s11 =	smov.u32 s10;
	s10 =	smov.u32 s13;
	v59 =	vmul.f32 v32, v10;
	v10 =	vmovc v18;
	v40 =	vld [tilespmem:s12+$0xFFFFF0A0];
	v55 =	vmul.f32 $1.442695020e+00, v19;
	[tilespmem:s2+$0xFFFFFF80] =	vst v54;
	v19 =	vmovc v50  }
.Ltmp7:
0x13d: {  	v60 =	vmul.f32 v32, v14;
	v18 =	vmovc v49;
	v37 =	vadd.f32 v51, v37;
	v50 =	vmul.f32 v32, v11;
	v54 =	vld [tilespmem:s12+$0xA0];
	(pc) =	sbr.rel @p1 .LBB2_8-.Ltmp7, $4  }
0x13e: {  	v39 =	vmul.f32 v32, v39;
	v11 =	vmovc v20;
	v56 =	vadd.f32 v56, v45;
	v38 =	vld [tilespmem:s12+$0xFFFFF0B0];
	v49 =	vbroadcast v55, $0xF;
	[tilespmem:s2+$0xFFFFFF90] =	vst v59  }
0x13f: {  	v51 =	vmul.f32 v32, v42;
	v53 =	vadd.f32 v53, v37;
	v55 =	vld [tilespmem:s12+$0xB0];
	[tilespmem:s2+$0xFFFFFFA0] =	vst v50;
	v50 =	vmul.f32 v32, v43  }
0x140: {  	v14 =	vmovc v21;
	v20 =	vmovc v44;
	v43 =	vmul.f32 $2.000000030e-01, v56;
	v57 =	vadd.f32 v57, v46;
	v37 =	vld [tilespmem:s12+$0xFFFFF0C0];
	(erf) = vpow2.f32 v49;
	[tilespmem:s2+$0xFFFFFFB0] =	vst v60  }
0x141: {  	s13 =	sadd.s32 $0x2, s13;
	v21 =	vmovc v48;
	v53 =	vadd.f32 v52, v53;
	v49 =	vand.u32 $0xFFFFFFFE, v58;
	v52 =	vmul.f32 v32, v41;
	v42 =	vld [tilespmem:s12+$0xC0];
	[tilespmem:s2+$0xFFFFFFC0] =	vst v39  }
0x142: {  	v39 =	vmax.f32 v56, v43;
	v41 =	vmul.f32 $2.000000030e-01, v57;
	v44 =	vadd.f32 v54, v40  }
0x143: {  	v39 =	vmul.f32 v39, v1  }
0x144: {  	v41 =	vmax.f32 v57, v41;
	v54 =	vmul.f32 $2.000000030e-01, v44  }
0x145: {  	v39 =	vadd.f32 $0.0e+00, v39;
	v41 =	vmul.f32 v41, v2  }
0x146: {  	v43 =	vld [tilespmem:s12+$0xFFFFF0D0];
	v44 =	vmax.f32 v44, v54  }
0x147: {  	v48 =	vld [tilespmem:s12+$0xD0];
	v39 =	vadd.f32 v41, v39;
	v60 =	vmul.f32 v44, v3  }
0x148: {  	v56 =	vld [tilespmem:s12+$0xE0];
	v55 =	vadd.f32 v55, v38  }
0x149: {  	v63 =	vadd.f32 v60, v39;
	v39 =	vld [tilespmem:s12+$0xFFFFF000]  }
0x14a: {  	v59 =	vmul.f32 $2.000000030e-01, v55;
	v42 =	vadd.f32 v42, v37;
	_ =	sdelay $0x1  }
0x14b: {  	v48 =	vadd.f32 v48, v43;
	v61 =	vmax.f32 v55, v59;
	v62 =	vmul.f32 $2.000000030e-01, v42  }
0x14c: {  	v55 =	vld [tilespmem:s12+$0x0];
	v44 =	vmul.f32 v61, v4  }
0x14d: {  	v56 =	vadd.f32 v56, v36;
	v60 =	vmul.f32 $2.000000030e-01, v48;
	v42 =	vmax.f32 v42, v62;
	[tilespmem:$0x1FFB0] =	vst v39  }
0x14e: {  	v44 =	vadd.f32 v44, v63;
	v61 =	vmul.f32 v42, v5;
	v41 =	vld [tilespmem:s12+$0xFFFFF010]  }
0x14f: {  	v47 =	vadd.f32 v47, v35;
	v62 =	vmul.f32 $2.000000030e-01, v56;
	v48 =	vmax.f32 v48, v60;
	v58 =	vld [tilespmem:s12+$0x10]  }
0x150: {  	v48 =	vmul.f32 v48, v6;
	v44 =	vadd.f32 v61, v44;
	v42 =	vld [tilespmem:s12+$0xFFFFF020]  }
0x151: {  	v63 =	vmul.f32 $2.000000030e-01, v47;
	v54 =	vmax.f32 v56, v62;
	v55 =	vadd.f32 v55, v39;
	v57 =	vld [tilespmem:s12+$0x20]  }
0x152: {  	v54 =	vmul.f32 v54, v7;
	v48 =	vadd.f32 v48, v44;
	v44 =	vld [tilespmem:s12+$0xFFFFF030]  }
0x153: {  	v47 =	vmax.f32 v47, v63;
	v59 =	vld [tilespmem:s12+$0x30];
	v39 =	vmul.f32 $2.000000030e-01, v55  }
0x154: {  	v60 =	vpop (erf);
	v48 =	vadd.f32 v54, v48;
	v54 =	vmul.f32 v47, v8;
	v58 =	vadd.f32 v58, v41  }
0x155: {  	v9 =	vmul.f32 v60, v9;
	v62 =	vld [tilespmem:s12+$0x40];
	v63 =	vmax.f32 v55, v39  }
0x156: {  	v47 =	vld [tilespmem:s12+$0xFFFFF040];
	v48 =	vadd.f32 v54, v48;
	v57 =	vadd.f32 v57, v42;
	v55 =	vmul.f32 $2.000000030e-01, v58  }
0x157: {  	(xrf2) =	vadd.scan.msk.f32 $0xffff, v53;
	v10 =	vmul.f32 v60, v10;
	v56 =	vld [tilespmem:s12+$0x50];
	v54 =	vmul.f32 v63, v1  }
0x158: {  	v61 =	vpop (erf);
	v39 =	vld [tilespmem:s12+$0xFFFFF050];
	v59 =	vadd.f32 v59, v44;
	(xrf2) =	vadd.scan.msk.f32 $0xffff, v48;
	v63 =	vmul.f32 $2.000000030e-01, v57;
	v58 =	vmax.f32 v58, v55  }
0x159: {  	v53 =	vmul.f32 v61, v22;
	v22 =	vld [tilespmem:s12+$0x60];
	v54 =	vadd.f32 $0.0e+00, v54;
	v48 =	vmul.f32 v58, v2  }
0x15a: {  	v55 =	vmul.f32 v61, v23;
	v23 =	vld [tilespmem:s12+$0xFFFFF060];
	v57 =	vmax.f32 v57, v63;
	v63 =	vmul.f32 $2.000000030e-01, v59  }
0x15b: {  	v58 =	vmul.f32 v61, v24;
	v24 =	vld [tilespmem:s12+$0xFFFFF070];
	v48 =	vadd.f32 v48, v54;
	v54 =	vadd.f32 v62, v47  }
0x15c: {  	v13 =	vmul.f32 v60, v13;
	[tilespmem:s2+$0xFFFFFFD0] =	vst v51;
	v57 =	vmul.f32 v57, v3;
	v51 =	vmax.f32 v59, v63;
	v59 =	vld [tilespmem:s12+$0x70]  }
0x15d: {  	[tilespmem:s2+$0xFFFFFFE0] =	vst v50;
	v25 =	vmul.f32 v61, v25;
	v62 =	vadd.f32 v56, v39;
	v63 =	vmul.f32 $2.000000030e-01, v54  }
0x15e: {  	[tilespmem:s2+$0xFFFFFFF0] =	vst v52;
	v34 =	vmul.f32 v61, v34;
	v51 =	vmul.f32 v51, v4;
	v48 =	vadd.f32 v57, v48  }
0x15f: {  	[tilespmem:v30+s25+$0x0] =	vst.idx.msk $0x1, v32;
	v56 =	vmul.f32 $2.000000030e-01, v62;
	v22 =	vadd.f32 v22, v23;
	v54 =	vmax.f32 v54, v63  }
0x160: {  	v26 =	vmul.f32 v61, v26;
	[tilespmem:s1+$0xFFFFFF80] =	vst v9;
	v48 =	vadd.f32 v51, v48;
	v30 =	vmul.f32 v54, v5  }
0x161: {  	[tilespmem:s1+$0xFFFFFF90] =	vst v10;
	v57, _, _ =	vpop (xrf2);
	v32 =	vmax.f32 v62, v56;
	v62 =	vadd.f32 v59, v24;
	v63 =	vmul.f32 $2.000000030e-01, v22  }
0x162: {  	s2 =	sadd.s32 $0x100, s1;
	[tilespmem:s1+$0xFFFFFFC0] =	vst v13;
	v51 =	vmul.f32 $1.442695020e+00, v57;
	v57, _, _ =	vpop (xrf2);
	v32 =	vmul.f32 v32, v6;
	v30 =	vadd.f32 v30, v48  }
0x163: {  	[tilespmem:s2+$0x20] =	vst v58;
	v58 =	vmul.f32 $2.000000030e-01, v62;
	v22 =	vmax.f32 v22, v63;
	v48 =	vmul.f32 $1.442695020e+00, v57  }
0x164: {  	[tilespmem:s2+$0x0] =	vst v53;
	v59 =	vbroadcast v51, $0xF;
	v22 =	vmul.f32 v22, v7;
	v30 =	vadd.f32 v32, v30  }
0x165: {  	v27 =	vmul.f32 v61, v27;
	[tilespmem:s2+$0x30] =	vst v25;
	v62 =	vmax.f32 v62, v58;
	v63 =	vbroadcast v48, $0xF  }
0x166: {  	[tilespmem:s2+$0x40] =	vst v34;
	(erf) = vpow2.f32 v59;
	v32 =	vmul.f32 v62, v8;
	v22 =	vadd.f32 v22, v30  }
0x167: {  	v17 =	vmul.f32 v61, v17;
	[tilespmem:s2+$0x50] =	vst v26;
	(erf) = vpow2.f32 v63  }
0x168: {  	v9 =	vmul.f32 v60, v11;
	[tilespmem:s2+$0x60] =	vst v27;
	v34 =	vadd.f32 v32, v22  }
0x169: {  	s13 =	sadd.s32 $0x1, s11;
	v11 =	vmul.f32 v60, v14;
	[tilespmem:s2+$0x70] =	vst v17  }
0x16a: {  	v52 =	vmov s13;
	[tilespmem:s1+$0xFFFFFFA0] =	vst v9;
	v9 =	vmul.f32 v60, v12;
	(xrf2) =	vadd.scan.msk.f32 $0xffff, v34  }
0x16b: {  	v10 =	vbroadcast v49, $0x0;
	[tilespmem:s1+$0xFFFFFFB0] =	vst v11;
	v11 =	vmul.f32 v60, v15  }
0x16c: {  	[tilespmem:s1+$0xFFFFFFD0] =	vst v9  }
0x16d: {  	[tilespmem:s1+$0xFFFFFFE0] =	vst v11  }
0x16e: {  	[tilespmem:s2+$0x10] =	vst v55;
	v48 =	vmul.f32 v60, v16  }
0x16f: {  	[tilespmem:v52+s25+$0x0] =	vst.idx.msk $0x1, v61;
	v9 =	vpop (erf)  }
0x170: {  	[tilespmem:s1+$0xFFFFFFF0] =	vst v48;
	v56 =	vmul.f32 v9, v21;
	v11 =	vpop (erf)  }
0x171: {  	[tilespmem:v10+s25+$0x0] =	vst.idx.msk $0x1, v60;
	v49 =	vmul.f32 v11, v45  }
0x172: {  	s14 =	sadd.s32 $0x100, s2;
	[tilespmem:s2+$0xFFFFFFB0] =	vst v56;
	v10 =	vmul.f32 v11, v46  }
0x173: {  	v50 =	vmul.f32 v11, v40;
	[tilespmem:s14+$0x0] =	vst v49  }
0x174: {  	[tilespmem:s14+$0x10] =	vst v10;
	v10 =	vmul.f32 v11, v38;
	v51, _, _ =	vpop (xrf2)  }
0x175: {  	s13 =	sadd.s32 $0x1, s10;
	v52 =	vmul.f32 v11, v37;
	[tilespmem:s14+$0x20] =	vst v50;
	v13 =	vmul.f32 $1.442695020e+00, v51  }
0x176: {  	v53 =	vmov s13;
	[tilespmem:s14+$0x30] =	vst v10;
	v10 =	vmul.f32 v11, v43  }
0x177: {  	v54 =	vmul.f32 v11, v36;
	[tilespmem:s14+$0x40] =	vst v52;
	v13 =	vbroadcast v13, $0xF  }
0x178: {  	[tilespmem:s14+$0x50] =	vst v10;
	v10 =	vmul.f32 v11, v35  }
0x179: {  	[tilespmem:s14+$0x60] =	vst v54;
	(erf) = vpow2.f32 v13  }
0x17a: {  	[tilespmem:s14+$0x70] =	vst v10;
	v10 =	vmul.f32 v9, v19  }
0x17b: {  	v55 =	vmov s11;
	[tilespmem:v53+s25+$0x0] =	vst.idx.msk $0x1, v11;
	v11 =	vmul.f32 v9, v18  }
0x17c: {  	v12 =	vand.u32 $0xFFFFFFFE, v55;
	[tilespmem:s2+$0xFFFFFF80] =	vst v10;
	v10 =	vmul.f32 v9, v20  }
0x17d: {  	v57 =	vmul.f32 v9, v29;
	[tilespmem:s2+$0xFFFFFF90] =	vst v11;
	v11 =	vbroadcast v12, $0x0  }
0x17e: {  	v58 =	vmul.f32 v9, v31;
	[tilespmem:s2+$0xFFFFFFA0] =	vst v10;
	v10 =	vmul.f32 v9, v28  }
0x17f: {  	v59 =	vmul.f32 v9, v33;
	[tilespmem:s2+$0xFFFFFFC0] =	vst v57  }
0x180: {  	[tilespmem:s2+$0xFFFFFFE0] =	vst v58  }
0x181: {  	[tilespmem:s2+$0xFFFFFFF0] =	vst v59  }
0x182: {  	[tilespmem:s2+$0xFFFFFFD0] =	vst v10;
	v10 =	vpop (erf)  }
0x183: {  	v12 =	vld [tilespmem:$0x1FFB0];
	[tilespmem:v11+s25+$0x0] =	vst.idx.msk $0x1, v9;
	v9 =	vmul.f32 v10, v41  }
0x184: {  	v60 =	vmul.f32 v10, v42  }
0x185: {  	v11 =	vmov s10;
	v61 =	vmul.f32 v10, v44;
	[tilespmem:s14+$0xFFFFFF90] =	vst v9  }
0x186: {  	v11 =	vand.u32 $0xFFFFFFFE, v11;
	v62 =	vmul.f32 v10, v39;
	[tilespmem:s14+$0xFFFFFFA0] =	vst v60  }
0x187: {  	v63 =	vmul.f32 v10, v23;
	v9 =	vbroadcast v11, $0x0;
	[tilespmem:s14+$0xFFFFFFB0] =	vst v61  }
0x188: {  	v11 =	vmul.f32 v10, v47;
	[tilespmem:s14+$0xFFFFFFD0] =	vst v62  }
0x189: {  	v12 =	vmul.f32 v10, v12;
	[tilespmem:s14+$0xFFFFFFE0] =	vst v63  }
0x18a: {  	[tilespmem:s14+$0xFFFFFFC0] =	vst v11;
	v11 =	vmul.f32 v10, v24  }
0x18b: {  	[tilespmem:s14+$0xFFFFFF80] =	vst v12  }
0x18c: {  	[tilespmem:s14+$0xFFFFFFF0] =	vst v11  }
0x18d: {  	s14 =	sshll.u32 s22, $0x7;
	[tilespmem:v9+s25+$0x0] =	vst.idx.msk $0x1, v10  }
0x18e: {  	v9 =	vld [tilespmem:s14+$0x1400];
	_ =	sdelay $0x2  }
0x18f: {  	v10 =	vld [tilespmem:$0x7500];
	_ =	sdelay $0x4  }
0x190: {  	[tilespmem:v9+s26+$0x0] =	vst.idx.add.f32.msk $0x1, v10  }
0x191: {  	[tilespmem:v9+s26+$0x0] =	vst.idx.add.f32.msk vm0, v10  }
0x192: {  	[tilespmem:v9+s26+$0x0] =	vst.idx.add.f32.msk vm1, v10  }
0x193: {  	[tilespmem:v9+s26+$0x0] =	vst.idx.add.f32.msk vm2, v10  }
0x194: {  	[tilespmem:v9+s26+$0x0] =	vst.idx.add.f32.msk vm3, v10  }
0x195: {  	[tilespmem:v9+s26+$0x0] =	vst.idx.add.f32.msk vm4, v10  }
0x196: {  	[tilespmem:v9+s26+$0x0] =	vst.idx.add.f32.msk vm5, v10  }
0x197: {  	[tilespmem:v9+s26+$0x0] =	vst.idx.add.f32.msk vm6, v10  }
0x198: {  	[tilespmem:v9+s26+$0x0] =	vst.idx.add.f32.msk vm7, v10  }
0x199: {  	[tilespmem:v9+s26+$0x0] =	vst.idx.add.f32.msk vm8, v10  }
0x19a: {  	[tilespmem:v9+s26+$0x0] =	vst.idx.add.f32.msk vm9, v10  }
0x19b: {  	[tilespmem:v9+s26+$0x0] =	vst.idx.add.f32.msk vm10, v10  }
0x19c: {  	[tilespmem:v9+s26+$0x0] =	vst.idx.add.f32.msk vm11, v10  }
0x19d: {  	[tilespmem:v9+s26+$0x0] =	vst.idx.add.f32.msk vm12, v10  }
0x19e: {  	[tilespmem:v9+s26+$0x0] =	vst.idx.add.f32.msk vm13, v10  }
0x19f: {  	[tilespmem:v9+s26+$0x0] =	vst.idx.add.f32.msk vm14, v10  }
0x1a0: {  	v9 =	vld [tilespmem:s14+$0x1410];
	_ =	sdelay $0x2  }
0x1a1: {  	v10 =	vld [tilespmem:$0x7510];
	_ =	sdelay $0x4  }
0x1a2: {  	[tilespmem:v9+s26+$0x0] =	vst.idx.add.f32.msk $0x1, v10  }
0x1a3: {  	[tilespmem:v9+s26+$0x0] =	vst.idx.add.f32.msk vm0, v10  }
0x1a4: {  	[tilespmem:v9+s26+$0x0] =	vst.idx.add.f32.msk vm1, v10  }
0x1a5: {  	[tilespmem:v9+s26+$0x0] =	vst.idx.add.f32.msk vm2, v10  }
0x1a6: {  	[tilespmem:v9+s26+$0x0] =	vst.idx.add.f32.msk vm3, v10  }
0x1a7: {  	[tilespmem:v9+s26+$0x0] =	vst.idx.add.f32.msk vm4, v10  }
0x1a8: {  	[tilespmem:v9+s26+$0x0] =	vst.idx.add.f32.msk vm5, v10  }
0x1a9: {  	[tilespmem:v9+s26+$0x0] =	vst.idx.add.f32.msk vm6, v10  }
0x1aa: {  	[tilespmem:v9+s26+$0x0] =	vst.idx.add.f32.msk vm7, v10  }
0x1ab: {  	[tilespmem:v9+s26+$0x0] =	vst.idx.add.f32.msk vm8, v10  }
0x1ac: {  	[tilespmem:v9+s26+$0x0] =	vst.idx.add.f32.msk vm9, v10  }
0x1ad: {  	[tilespmem:v9+s26+$0x0] =	vst.idx.add.f32.msk vm10, v10  }
.Ltmp8:
0x1ae: {  	[tilespmem:v9+s26+$0x0] =	vst.idx.add.f32.msk vm11, v10;
	(pc) =	sbr.rel .LBB2_10-.Ltmp8, $4  }
0x1af: {  	[tilespmem:v9+s26+$0x0] =	vst.idx.add.f32.msk vm12, v10  }
0x1b0: {  	[tilespmem:v9+s26+$0x0] =	vst.idx.add.f32.msk vm13, v10  }
0x1b1: {  	s22 =	sadd.s32 $0x3, s22;
	s1 =	sor.u32 $0x1400, s14;
	[tilespmem:v9+s26+$0x0] =	vst.idx.add.f32.msk vm14, v10  }
0x1b2: {  	[spmem:s3] =	stream.indirect.scatter.add.f32 [tilespmem:s31], [sflag:s22], $0x80, s1, s28, $0xb8;
	[tilespmem:$0x1FE00] =	vst v63  }
.LBB2_12:
0x1b3: {  	_ =	sfence.sel $0x180000  }
0x1b4: {  	[bflag:$0x0] =	sbarrier.arrive $0xFFFF  }
0x1b5: {  	_ =	strace $0x90000047  }
0x1b6: {  	s0 =	stileid.u32;
	[bflag:$0x2] =	sbarrier.arrive $0xFFFF  }
0x1b7: {  	p0 =	sne.s32 s0, $0x0;
	s0 =	rddreg [dreg:$0x4]  }
0x1b8: {  	s0 =	sadd.s32 @!p0 $0x100000, s0  }
0x1b9: {  	[sflag:s0] =	ssyncadd.tile.s32 @!p0 $0x1;
	_ =	shalt  }
.Lfunc_end2:
_tile_overlayer_lowered:
.L_overlay_start_2:
0x1ba: {  	(tag) =	ssettag $0x2  }
0x1bb: {  	s0 =	rddreg [dreg:$0x0];
	s2 =	stileid.u32  }
0x1bc: {  	s1 =	rddreg [dreg:$0x1];
	p0 =	sne.s32 s2, $0x0  }
0x1bd: {  	s3 =	rddreg [dreg:$0x2];
	[bflag:$0x3] =	sbarrier.arrive $0xFFFF;
	s2 =	simm.s32 @!p0 $0x1C05  }
0x1be: {  	[timem:s3], [sflag:s2] =	dma.local @!p0 [hbm:s0], s1  }
0x1bf: {  	s0 =	simm.s32 @!p0 $0x5  }
0x1c0: {  	_ =	swait.ge @!p0 [sflag:s0], s1  }
0x1c1: {  	s1 =	ssub.s32 @!p0 $0x0, s1;
	[sflag:s0] =	ssyncset.done @!p0 $0x0  }
0x1c2: {  	[sflag:s0] =	ssyncadd.s32 @!p0 s1  }
0x1c3: {  	[bflag:$0x3] =	sbarrier.arrive $0xFFFF  }
0x1c4: {  	_ =	shalt  }

</sc_bundles>
